<compile_context>
chip_gen: v7x
topology: tpu7x:2x2x1
jax: 0.10.2.dev20260603
libtpu: 0.0.44.dev20260713+nightly
codegen_flags: <defaults>
</compile_context>

<pallas_src>
import functools

import jax
import jax.numpy as jnp
from jax import lax
from jax.experimental import pallas as pl
from jax.experimental.pallas import tpu as pltpu
from jax.experimental.pallas import tpu_sc as plsc

N = 10000
D = 128
E = 320000

NC = 2
NS = 16
CHUNK = 128
NPAD = 10240
EPAD = 327680
ROWS = EPAD // CHUNK
ROWS_PER_SC = ROWS // NC
ROWS_PER_TILE = ROWS_PER_SC // NS
NSLICE = NPAD // NS

_mesh = plsc.VectorSubcoreMesh(core_axis_name="c", subcore_axis_name="s")


_HIST_DEPTH = 8


@functools.partial(
    pl.kernel,
    out_type=jax.ShapeDtypeStruct((NC, 2, NPAD), jnp.float32),
    mesh=_mesh,
    scratch_types=[
        pltpu.VMEM((2 * ROWS_PER_TILE, CHUNK), jnp.int32),
        pltpu.VMEM((CHUNK,), jnp.float32),
        pltpu.VMEM((NSLICE,), jnp.float32),
        pltpu.VMEM_SHARED((2 * NPAD,), jnp.float32),
        pltpu.SemaphoreType.DMA,
    ],
)
def _hist_kernel(src_hbm, dst2_hbm, hist_hbm, idx_v, ones_v, zslice_v,
                 hist_s, sem):
    cid = lax.axis_index("c")
    sid = lax.axis_index("s")

    for j in range(CHUNK // 16):
        ones_v[pl.ds(j * 16, 16)] = jnp.ones((16,), jnp.float32)

    def _zfill(i, carry):
        zslice_v[pl.ds(i * 16, 16)] = jnp.zeros((16,), jnp.float32)
        return carry

    lax.fori_loop(0, NSLICE // 16, _zfill, 0)

    nbase = sid * NSLICE
    pltpu.sync_copy(zslice_v, hist_s.at[pl.ds(nbase, NSLICE)])
    pltpu.sync_copy(zslice_v, hist_s.at[pl.ds(NPAD + nbase, NSLICE)])
    plsc.subcore_barrier()

    row0 = cid * ROWS_PER_SC + sid * ROWS_PER_TILE
    pltpu.sync_copy(src_hbm.at[pl.ds(row0, ROWS_PER_TILE)],
                    idx_v.at[pl.ds(0, ROWS_PER_TILE)])
    pltpu.sync_copy(dst2_hbm.at[pl.ds(row0, ROWS_PER_TILE)],
                    idx_v.at[pl.ds(ROWS_PER_TILE, ROWS_PER_TILE)])

    def _scat_group(g, carry):
        base = g * _HIST_DEPTH
        for j in range(_HIST_DEPTH):
            pltpu.async_copy(ones_v, hist_s.at[idx_v.at[base + j]], sem,
                             add=True)
        for j in range(_HIST_DEPTH):
            pltpu.make_async_copy(ones_v, hist_s.at[idx_v.at[base + j]],
                                  sem).wait()
        return carry

    lax.fori_loop(0, (2 * ROWS_PER_TILE) // _HIST_DEPTH, _scat_group, 0)

    plsc.subcore_barrier()
    pltpu.sync_copy(hist_s.at[pl.ds(nbase, NSLICE)],
                    hist_hbm.at[cid, 0, pl.ds(nbase, NSLICE)])
    pltpu.sync_copy(hist_s.at[pl.ds(NPAD + nbase, NSLICE)],
                    hist_hbm.at[cid, 1, pl.ds(nbase, NSLICE)])


def _prep_body(feat_ref, hist_ref, fs_ref, nin_ref):
    out_deg = hist_ref[0, 0, :] + hist_ref[1, 0, :]
    in_deg = hist_ref[0, 1, :] + hist_ref[1, 1, :]
    norm_out = lax.rsqrt(jnp.maximum(out_deg, 1.0) + 1.0)
    nin_ref[...] = lax.rsqrt(jnp.maximum(in_deg, 1.0) + 1.0)
    fs_ref[...] = feat_ref[...] * norm_out[:, None]


_prep = pl.pallas_call(
    _prep_body,
    out_shape=(
        jax.ShapeDtypeStruct((NPAD, D), jnp.float32),
        jax.ShapeDtypeStruct((NPAD,), jnp.float32),
    ),
)


@functools.partial(
    pl.kernel,
    out_type=jax.ShapeDtypeStruct((NC, NPAD, D), jnp.float32),
    mesh=_mesh,
    scratch_types=[
        pltpu.VMEM((ROWS_PER_TILE // 2, CHUNK), jnp.int32),
        pltpu.VMEM((ROWS_PER_TILE // 2, CHUNK), jnp.int32),
        pltpu.VMEM((CHUNK, D), jnp.float32),
        pltpu.VMEM((CHUNK, D), jnp.float32),
        pltpu.VMEM_SHARED((NPAD, D), jnp.float32),
        pltpu.SemaphoreType.DMA,
        pltpu.SemaphoreType.DMA,
    ],
)
def _agg_kernel(featsrc_hbm, src_hbm, dst_hbm, zeros_hbm, part_hbm,
                sidx_v, didx_v, rows0_v, rows1_v, h_s, sem0, sem1):
    cid = lax.axis_index("c")
    sid = lax.axis_index("s")
    half_rows = ROWS_PER_TILE // 2

    nbase = sid * NSLICE
    pltpu.sync_copy(zeros_hbm, h_s.at[pl.ds(nbase, NSLICE)])
    plsc.subcore_barrier()

    row0 = cid * ROWS_PER_SC + sid * ROWS_PER_TILE

    for half in range(2):
        r0 = row0 + half * half_rows
        pltpu.sync_copy(src_hbm.at[pl.ds(r0, half_rows)], sidx_v)
        pltpu.sync_copy(dst_hbm.at[pl.ds(r0, half_rows)], didx_v)

        pltpu.async_copy(featsrc_hbm.at[sidx_v.at[0]], rows0_v, sem0)

        def _edge_pair(t, carry):
            j0 = 2 * t
            pltpu.async_copy(featsrc_hbm.at[sidx_v.at[j0 + 1]], rows1_v, sem1)
            pltpu.make_async_copy(featsrc_hbm.at[sidx_v.at[j0]], rows0_v,
                                  sem0).wait()
            pltpu.sync_copy(rows0_v, h_s.at[didx_v.at[j0]], add=True)

            @pl.when(t < half_rows // 2 - 1)
            def _():
                pltpu.async_copy(featsrc_hbm.at[sidx_v.at[j0 + 2]], rows0_v,
                                 sem0)

            pltpu.make_async_copy(featsrc_hbm.at[sidx_v.at[j0 + 1]], rows1_v,
                                  sem1).wait()
            pltpu.sync_copy(rows1_v, h_s.at[didx_v.at[j0 + 1]], add=True)
            return carry

        lax.fori_loop(0, half_rows // 2, _edge_pair, 0)

    plsc.subcore_barrier()
    pltpu.sync_copy(h_s.at[pl.ds(nbase, NSLICE)],
                    part_hbm.at[cid, pl.ds(nbase, NSLICE)])


def _final_body(feat_ref, part_ref, nin_ref, out_ref):
    h = part_ref[0, :N, :] + part_ref[1, :N, :]
    out_ref[...] = (feat_ref[...] + h) * nin_ref[:N][:, None]


_final = pl.pallas_call(
    _final_body,
    out_shape=jax.ShapeDtypeStruct((N, D), jnp.float32),
)


def kernel(feat, edge_index):
    ei = edge_index.astype(jnp.int32)
    pad = N + jnp.arange(EPAD - E, dtype=jnp.int32) % (NPAD - N)
    src = jnp.concatenate([ei[0], pad]).reshape(ROWS, CHUNK)
    dst = jnp.concatenate([ei[1], pad]).reshape(ROWS, CHUNK)
    feat_pad = jnp.pad(feat, ((0, NPAD - N), (0, 0)))

    hist = _hist_kernel(src, dst + NPAD)
    feat_src, norm_in = _prep(feat_pad, hist)
    zeros = jnp.zeros((NSLICE, D), jnp.float32)
    part = _agg_kernel(feat_src, src, dst, zeros)
    return _final(feat, part, norm_in)

# --- scband reference (transcript-rebuilt; emitter-appended) ---
"""Pipeline reference for scband-graph-conv-1786706395354 (READ-ONLY COPY).

The authoritative reference and input builder live on the scoring server;
editing this copy changes nothing except your own understanding.
"""

import jax, jax.numpy as jnp
import numpy as np

N_NODES = 10000
N_EDGES = 320000
D_FEAT = 128


def setup_inputs(seed: int = 0) -> dict:
    key = jax.random.key(seed)
    k1, k2 = jax.random.split(key)
    feat = jax.random.normal(k1, (N_NODES, D_FEAT), dtype=jnp.float32)
    edge_index = jax.random.randint(k2, (2, N_EDGES), 0, N_NODES, dtype=jnp.int64)
    return {"feat": feat, "edge_index": edge_index}


def reference(feat, edge_index):
    # DGL GraphConv with norm='both', no weight, no activation.
    # rst = D_in^{-1/2} * ( feat + A^T (D_out^{-1/2} feat) )
    # where degrees are clamp(min=1) + 1 as in the original code.
    n = feat.shape[0]
    src = edge_index[0]
    dst = edge_index[1]

    # left normalization by (out-degree clamped to >=1, plus 1)^{-1/2}
    out_deg = jnp.bincount(src, length=n).astype(feat.dtype)
    degs_out = jnp.clip(out_deg, 1.0, None) + 1.0
    norm_out = jnp.power(degs_out, -0.5)[:, None]
    feat_src = feat * norm_out

    # message passing: copy_u then sum over incoming edges (scatter-add)
    msgs = jnp.take(feat_src, src, axis=0)
    h_neigh = jax.ops.segment_sum(msgs, dst, num_segments=n)

    # residual self connection: feat_dst + aggregated neighbors
    rst = feat + h_neigh

    # right normalization by (in-degree clamped to >=1, plus 1)^{-1/2}
    in_deg = jnp.bincount(dst, length=n).astype(feat.dtype)
    degs_in = jnp.clip(in_deg, 1.0, None) + 1.0
    norm_in = jnp.power(degs_in, -0.5)[:, None]
    rst = rst * norm_in
    return rst

if __name__ == "__main__":
    import jax
    _d = setup_inputs()
    print(jax.jit(kernel)(*tuple(_d.values())))

</pallas_src>

<mosaic_0001>
#map = affine_map<(d0, d1) -> (0, 0)>
#map1 = affine_map<(d0, d1) -> (0, 0, 0)>
module attributes {stable_mosaic.version = 14 : i64} {
  func.func @_hist_kernel(%arg0: i32, %arg1: i32, %arg2: memref<2560x128xi32, #tpu.memory_space<hbm>>, %arg3: memref<2560x128xi32, #tpu.memory_space<hbm>>, %arg4: memref<2x2x10240xf32, #tpu.memory_space<hbm>>, %arg5: memref<160x128xi32, #tpu.memory_space<vmem>>, %arg6: memref<128xf32, #tpu.memory_space<vmem>>, %arg7: memref<640xf32, #tpu.memory_space<vmem>>, %arg8: memref<20480xf32, #tpu.memory_space<vmem_shared>>, %arg9: memref<!tpu.dma_semaphore, #tpu.memory_space<semaphore_mem>>) attributes {dimension_semantics = [#tpu.dimension_semantics<core_parallel>, #tpu.dimension_semantics<subcore_parallel>], iteration_bounds = array<i64: 2, 16>, scalar_prefetch = 0 : i64, scratch_operands = 5 : i64, tpu.core_type = #tpu.core_type<sc_vector_subcore>, window_params = [{transform_indices = #map}, {transform_indices = #map}, {transform_indices = #map1}]} {
    %broadcast_in_dim3A = arith.constant 1.000000e+00 : f32
    %broadcast_in_dim3A_0 = vector.broadcast %broadcast_in_dim3A : f32 to vector<16xf32>
    %swap3A = arith.constant 0 : index
    %swap3A_1 = tpu.vector_load %arg6[%swap3A] {strides = array<i32>} : memref<128xf32, #tpu.memory_space<vmem>>, vector<16xf32>,
    %swap3A_2 = vector.shape_cast %swap3A_1 : vector<16xf32> to vector<16xf32>
    %swap3A_3 = vector.shape_cast %broadcast_in_dim3A_0 : vector<16xf32> to vector<16xf32>
    tpu.vector_store %arg6[%swap3A], %swap3A_3 {strides = array<i32>} : memref<128xf32, #tpu.memory_space<vmem>>, vector<16xf32>,
    %broadcast_in_dim3A_4 = arith.constant 1.000000e+00 : f32
    %broadcast_in_dim3A_5 = vector.broadcast %broadcast_in_dim3A_4 : f32 to vector<16xf32>
    %swap3A_6 = arith.constant 16 : index
    %swap3A_7 = tpu.vector_load %arg6[%swap3A_6] {strides = array<i32>} : memref<128xf32, #tpu.memory_space<vmem>>, vector<16xf32>,
    %swap3A_8 = vector.shape_cast %swap3A_7 : vector<16xf32> to vector<16xf32>
    %swap3A_9 = vector.shape_cast %broadcast_in_dim3A_5 : vector<16xf32> to vector<16xf32>
    tpu.vector_store %arg6[%swap3A_6], %swap3A_9 {strides = array<i32>} : memref<128xf32, #tpu.memory_space<vmem>>, vector<16xf32>,
    %broadcast_in_dim3A_10 = arith.constant 1.000000e+00 : f32
    %broadcast_in_dim3A_11 = vector.broadcast %broadcast_in_dim3A_10 : f32 to vector<16xf32>
    %swap3A_12 = arith.constant 32 : index
    %swap3A_13 = tpu.vector_load %arg6[%swap3A_12] {strides = array<i32>} : memref<128xf32, #tpu.memory_space<vmem>>, vector<16xf32>,
    %swap3A_14 = vector.shape_cast %swap3A_13 : vector<16xf32> to vector<16xf32>
    %swap3A_15 = vector.shape_cast %broadcast_in_dim3A_11 : vector<16xf32> to vector<16xf32>
    tpu.vector_store %arg6[%swap3A_12], %swap3A_15 {strides = array<i32>} : memref<128xf32, #tpu.memory_space<vmem>>, vector<16xf32>,
    %broadcast_in_dim3A_16 = arith.constant 1.000000e+00 : f32
    %broadcast_in_dim3A_17 = vector.broadcast %broadcast_in_dim3A_16 : f32 to vector<16xf32>
    %swap3A_18 = arith.constant 48 : index
    %swap3A_19 = tpu.vector_load %arg6[%swap3A_18] {strides = array<i32>} : memref<128xf32, #tpu.memory_space<vmem>>, vector<16xf32>,
    %swap3A_20 = vector.shape_cast %swap3A_19 : vector<16xf32> to vector<16xf32>
    %swap3A_21 = vector.shape_cast %broadcast_in_dim3A_17 : vector<16xf32> to vector<16xf32>
    tpu.vector_store %arg6[%swap3A_18], %swap3A_21 {strides = array<i32>} : memref<128xf32, #tpu.memory_space<vmem>>, vector<16xf32>,
    %broadcast_in_dim3A_22 = arith.constant 1.000000e+00 : f32
    %broadcast_in_dim3A_23 = vector.broadcast %broadcast_in_dim3A_22 : f32 to vector<16xf32>
    %swap3A_24 = arith.constant 64 : index
    %swap3A_25 = tpu.vector_load %arg6[%swap3A_24] {strides = array<i32>} : memref<128xf32, #tpu.memory_space<vmem>>, vector<16xf32>,
    %swap3A_26 = vector.shape_cast %swap3A_25 : vector<16xf32> to vector<16xf32>
    %swap3A_27 = vector.shape_cast %broadcast_in_dim3A_23 : vector<16xf32> to vector<16xf32>
    tpu.vector_store %arg6[%swap3A_24], %swap3A_27 {strides = array<i32>} : memref<128xf32, #tpu.memory_space<vmem>>, vector<16xf32>,
    %broadcast_in_dim3A_28 = arith.constant 1.000000e+00 : f32
    %broadcast_in_dim3A_29 = vector.broadcast %broadcast_in_dim3A_28 : f32 to vector<16xf32>
    %swap3A_30 = arith.constant 80 : index
    %swap3A_31 = tpu.vector_load %arg6[%swap3A_30] {strides = array<i32>} : memref<128xf32, #tpu.memory_space<vmem>>, vector<16xf32>,
    %swap3A_32 = vector.shape_cast %swap3A_31 : vector<16xf32> to vector<16xf32>
    %swap3A_33 = vector.shape_cast %broadcast_in_dim3A_29 : vector<16xf32> to vector<16xf32>
    tpu.vector_store %arg6[%swap3A_30], %swap3A_33 {strides = array<i32>} : memref<128xf32, #tpu.memory_space<vmem>>, vector<16xf32>,
    %broadcast_in_dim3A_34 = arith.constant 1.000000e+00 : f32
    %broadcast_in_dim3A_35 = vector.broadcast %broadcast_in_dim3A_34 : f32 to vector<16xf32>
    %swap3A_36 = arith.constant 96 : index
    %swap3A_37 = tpu.vector_load %arg6[%swap3A_36] {strides = array<i32>} : memref<128xf32, #tpu.memory_space<vmem>>, vector<16xf32>,
    %swap3A_38 = vector.shape_cast %swap3A_37 : vector<16xf32> to vector<16xf32>
    %swap3A_39 = vector.shape_cast %broadcast_in_dim3A_35 : vector<16xf32> to vector<16xf32>
    tpu.vector_store %arg6[%swap3A_36], %swap3A_39 {strides = array<i32>} : memref<128xf32, #tpu.memory_space<vmem>>, vector<16xf32>,
    %broadcast_in_dim3A_40 = arith.constant 1.000000e+00 : f32
    %broadcast_in_dim3A_41 = vector.broadcast %broadcast_in_dim3A_40 : f32 to vector<16xf32>
    %swap3A_42 = arith.constant 112 : index
    %swap3A_43 = tpu.vector_load %arg6[%swap3A_42] {strides = array<i32>} : memref<128xf32, #tpu.memory_space<vmem>>, vector<16xf32>,
    %swap3A_44 = vector.shape_cast %swap3A_43 : vector<16xf32> to vector<16xf32>
    %swap3A_45 = vector.shape_cast %broadcast_in_dim3A_41 : vector<16xf32> to vector<16xf32>
    tpu.vector_store %arg6[%swap3A_42], %swap3A_45 {strides = array<i32>} : memref<128xf32, #tpu.memory_space<vmem>>, vector<16xf32>,
    %scan3A = arith.constant 0 : i32
    %scan3A_46 = arith.constant 0 : i32
    %scan3A_47 = arith.constant 40 : i32
    %scan3A_48 = arith.addi %scan3A_46, %scan3A_47 : i32
    %scan3A_49 = arith.constant 1 : i32
    scf.for %scan3A_68 = %scan3A_46 to %scan3A_48 step %scan3A_49  : i32 {
      %broadcast_in_dim3A_69 = arith.constant 0.000000e+00 : f32
      %broadcast_in_dim3A_70 = vector.broadcast %broadcast_in_dim3A_69 : f32 to vector<16xf32>
      %mul3A_71 = arith.constant 16 : i32
      %mul3A_72 = arith.muli %scan3A_68, %mul3A_71 : i32
      %swap3A_73 = arith.index_cast %mul3A_72 : i32 to index
      %swap3A_74 = tpu.vector_load %arg7[%swap3A_73] {strides = array<i32>} : memref<640xf32, #tpu.memory_space<vmem>>, vector<16xf32>,
      %swap3A_75 = vector.shape_cast %swap3A_74 : vector<16xf32> to vector<16xf32>
      %swap3A_76 = vector.shape_cast %broadcast_in_dim3A_70 : vector<16xf32> to vector<16xf32>
      tpu.vector_store %arg7[%swap3A_73], %swap3A_76 {strides = array<i32>} : memref<640xf32, #tpu.memory_space<vmem>>, vector<16xf32>,
    }
    %scan3A_50 = arith.constant 40 : i32
    %mul3A = arith.constant 640 : i32
    %mul3A_51 = arith.muli %arg1, %mul3A : i32
    "tpu.region"() ({
      %run_scoped3A_68 = tpu.sem_alloc : memref<!tpu.dma_semaphore, #tpu.memory_space<semaphore_mem>>
      %dma_start3A = tpu.memref_slice %arg8[%mul3A_51] : memref<20480xf32, #tpu.memory_space<vmem_shared>> -> memref<640xf32, #tpu.memory_space<vmem_shared>>
      %dma_start3A_69 = tpu.memref_slice %arg8[%mul3A_51] : memref<20480xf32, #tpu.memory_space<vmem_shared>> -> memref<640xf32, #tpu.memory_space<vmem_shared>>
      tpu.enqueue_dma source(%arg7 : memref<640xf32, #tpu.memory_space<vmem>>) target(%dma_start3A_69 : memref<640xf32, #tpu.memory_space<vmem_shared>>) target_semaphore(%run_scoped3A_68 : memref<!tpu.dma_semaphore, #tpu.memory_space<semaphore_mem>>)
      %dma_wait3A = tpu.memref_slice %arg8[%mul3A_51] : memref<20480xf32, #tpu.memory_space<vmem_shared>> -> memref<640xf32, #tpu.memory_space<vmem_shared>>
      %dma_wait3A_70 = tpu.memref_slice %arg8[%mul3A_51] : memref<20480xf32, #tpu.memory_space<vmem_shared>> -> memref<640xf32, #tpu.memory_space<vmem_shared>>
      tpu.wait_dma2 semaphore(%run_scoped3A_68 : memref<!tpu.dma_semaphore, #tpu.memory_space<semaphore_mem>>) src(%arg7 : memref<640xf32, #tpu.memory_space<vmem>>) dst(%dma_wait3A_70 : memref<640xf32, #tpu.memory_space<vmem_shared>>)
      tpu.yield
    }) : () -> ()
    %add3A = arith.constant 10240 : i32
    %add3A_52 = arith.addi %add3A, %mul3A_51 : i32
    "tpu.region"() ({
      %run_scoped3A_68 = tpu.sem_alloc : memref<!tpu.dma_semaphore, #tpu.memory_space<semaphore_mem>>
      %dma_start3A = tpu.memref_slice %arg8[%add3A_52] : memref<20480xf32, #tpu.memory_space<vmem_shared>> -> memref<640xf32, #tpu.memory_space<vmem_shared>>
      %dma_start3A_69 = tpu.memref_slice %arg8[%add3A_52] : memref<20480xf32, #tpu.memory_space<vmem_shared>> -> memref<640xf32, #tpu.memory_space<vmem_shared>>
      tpu.enqueue_dma source(%arg7 : memref<640xf32, #tpu.memory_space<vmem>>) target(%dma_start3A_69 : memref<640xf32, #tpu.memory_space<vmem_shared>>) target_semaphore(%run_scoped3A_68 : memref<!tpu.dma_semaphore, #tpu.memory_space<semaphore_mem>>)
      %dma_wait3A = tpu.memref_slice %arg8[%add3A_52] : memref<20480xf32, #tpu.memory_space<vmem_shared>> -> memref<640xf32, #tpu.memory_space<vmem_shared>>
      %dma_wait3A_70 = tpu.memref_slice %arg8[%add3A_52] : memref<20480xf32, #tpu.memory_space<vmem_shared>> -> memref<640xf32, #tpu.memory_space<vmem_shared>>
      tpu.wait_dma2 semaphore(%run_scoped3A_68 : memref<!tpu.dma_semaphore, #tpu.memory_space<semaphore_mem>>) src(%arg7 : memref<640xf32, #tpu.memory_space<vmem>>) dst(%dma_wait3A_70 : memref<640xf32, #tpu.memory_space<vmem_shared>>)
      tpu.yield
    }) : () -> ()
    %barrier3A = arith.constant 0 : index
    tpu.barrier barrier_id(%barrier3A)
    %mul3A_53 = arith.constant 1280 : i32
    %mul3A_54 = arith.muli %arg0, %mul3A_53 : i32
    %mul3A_55 = arith.constant 80 : i32
    %mul3A_56 = arith.muli %arg1, %mul3A_55 : i32
    %add3A_57 = arith.addi %mul3A_54, %mul3A_56 : i32
    "tpu.region"() ({
      %run_scoped3A_68 = tpu.sem_alloc : memref<!tpu.dma_semaphore, #tpu.memory_space<semaphore_mem>>
      %dma_start3A = arith.constant 0 : i32
      %dma_start3A_69 = arith.constant 0 : i32
      %dma_start3A_70 = tpu.memref_slice %arg5[%dma_start3A, %dma_start3A_69] : memref<160x128xi32, #tpu.memory_space<vmem>> -> memref<80x128xi32, #tpu.memory_space<vmem>>
      %dma_start3A_71 = arith.constant 0 : i32
      %dma_start3A_72 = tpu.memref_slice %arg2[%add3A_57, %dma_start3A_71] : memref<2560x128xi32, #tpu.memory_space<hbm>> -> memref<80x128xi32, #tpu.memory_space<hbm>>
      %dma_start3A_73 = arith.constant 0 : i32
      %dma_start3A_74 = arith.constant 0 : i32
      %dma_start3A_75 = tpu.memref_slice %arg5[%dma_start3A_73, %dma_start3A_74] : memref<160x128xi32, #tpu.memory_space<vmem>> -> memref<80x128xi32, #tpu.memory_space<vmem>>
      %dma_start3A_76 = arith.constant 0 : i32
      %dma_start3A_77 = tpu.memref_slice %arg2[%add3A_57, %dma_start3A_76] : memref<2560x128xi32, #tpu.memory_space<hbm>> -> memref<80x128xi32, #tpu.memory_space<hbm>>
      tpu.enqueue_dma source(%dma_start3A_77 : memref<80x128xi32, #tpu.memory_space<hbm>>) target(%dma_start3A_75 : memref<80x128xi32, #tpu.memory_space<vmem>>) target_semaphore(%run_scoped3A_68 : memref<!tpu.dma_semaphore, #tpu.memory_space<semaphore_mem>>)
      %dma_wait3A = arith.constant 0 : i32
      %dma_wait3A_78 = arith.constant 0 : i32
      %dma_wait3A_79 = tpu.memref_slice %arg5[%dma_wait3A, %dma_wait3A_78] : memref<160x128xi32, #tpu.memory_space<vmem>> -> memref<80x128xi32, #tpu.memory_space<vmem>>
      %dma_wait3A_80 = arith.constant 0 : i32
      %dma_wait3A_81 = tpu.memref_slice %arg2[%add3A_57, %dma_wait3A_80] : memref<2560x128xi32, #tpu.memory_space<hbm>> -> memref<80x128xi32, #tpu.memory_space<hbm>>
      %dma_wait3A_82 = arith.constant 0 : i32
      %dma_wait3A_83 = arith.constant 0 : i32
      %dma_wait3A_84 = tpu.memref_slice %arg5[%dma_wait3A_82, %dma_wait3A_83] : memref<160x128xi32, #tpu.memory_space<vmem>> -> memref<80x128xi32, #tpu.memory_space<vmem>>
      %dma_wait3A_85 = arith.constant 0 : i32
      %dma_wait3A_86 = tpu.memref_slice %arg2[%add3A_57, %dma_wait3A_85] : memref<2560x128xi32, #tpu.memory_space<hbm>> -> memref<80x128xi32, #tpu.memory_space<hbm>>
      tpu.wait_dma2 semaphore(%run_scoped3A_68 : memref<!tpu.dma_semaphore, #tpu.memory_space<semaphore_mem>>) src(%dma_wait3A_86 : memref<80x128xi32, #tpu.memory_space<hbm>>) dst(%dma_wait3A_84 : memref<80x128xi32, #tpu.memory_space<vmem>>)
      tpu.yield
    }) : () -> ()
    "tpu.region"() ({
      %run_scoped3A_68 = tpu.sem_alloc : memref<!tpu.dma_semaphore, #tpu.memory_space<semaphore_mem>>
      %dma_start3A = arith.constant 80 : i32
      %dma_start3A_69 = arith.constant 0 : i32
      %dma_start3A_70 = tpu.memref_slice %arg5[%dma_start3A, %dma_start3A_69] : memref<160x128xi32, #tpu.memory_space<vmem>> -> memref<80x128xi32, #tpu.memory_space<vmem>>
      %dma_start3A_71 = arith.constant 0 : i32
      %dma_start3A_72 = tpu.memref_slice %arg3[%add3A_57, %dma_start3A_71] : memref<2560x128xi32, #tpu.memory_space<hbm>> -> memref<80x128xi32, #tpu.memory_space<hbm>>
      %dma_start3A_73 = arith.constant 80 : i32
      %dma_start3A_74 = arith.constant 0 : i32
      %dma_start3A_75 = tpu.memref_slice %arg5[%dma_start3A_73, %dma_start3A_74] : memref<160x128xi32, #tpu.memory_space<vmem>> -> memref<80x128xi32, #tpu.memory_space<vmem>>
      %dma_start3A_76 = arith.constant 0 : i32
      %dma_start3A_77 = tpu.memref_slice %arg3[%add3A_57, %dma_start3A_76] : memref<2560x128xi32, #tpu.memory_space<hbm>> -> memref<80x128xi32, #tpu.memory_space<hbm>>
      tpu.enqueue_dma source(%dma_start3A_77 : memref<80x128xi32, #tpu.memory_space<hbm>>) target(%dma_start3A_75 : memref<80x128xi32, #tpu.memory_space<vmem>>) target_semaphore(%run_scoped3A_68 : memref<!tpu.dma_semaphore, #tpu.memory_space<semaphore_mem>>)
      %dma_wait3A = arith.constant 80 : i32
      %dma_wait3A_78 = arith.constant 0 : i32
      %dma_wait3A_79 = tpu.memref_slice %arg5[%dma_wait3A, %dma_wait3A_78] : memref<160x128xi32, #tpu.memory_space<vmem>> -> memref<80x128xi32, #tpu.memory_space<vmem>>
      %dma_wait3A_80 = arith.constant 0 : i32
      %dma_wait3A_81 = tpu.memref_slice %arg3[%add3A_57, %dma_wait3A_80] : memref<2560x128xi32, #tpu.memory_space<hbm>> -> memref<80x128xi32, #tpu.memory_space<hbm>>
      %dma_wait3A_82 = arith.constant 80 : i32
      %dma_wait3A_83 = arith.constant 0 : i32
      %dma_wait3A_84 = tpu.memref_slice %arg5[%dma_wait3A_82, %dma_wait3A_83] : memref<160x128xi32, #tpu.memory_space<vmem>> -> memref<80x128xi32, #tpu.memory_space<vmem>>
      %dma_wait3A_85 = arith.constant 0 : i32
      %dma_wait3A_86 = tpu.memref_slice %arg3[%add3A_57, %dma_wait3A_85] : memref<2560x128xi32, #tpu.memory_space<hbm>> -> memref<80x128xi32, #tpu.memory_space<hbm>>
      tpu.wait_dma2 semaphore(%run_scoped3A_68 : memref<!tpu.dma_semaphore, #tpu.memory_space<semaphore_mem>>) src(%dma_wait3A_86 : memref<80x128xi32, #tpu.memory_space<hbm>>) dst(%dma_wait3A_84 : memref<80x128xi32, #tpu.memory_space<vmem>>)
      tpu.yield
    }) : () -> ()
    %scan3A_58 = arith.constant 0 : i32
    %scan3A_59 = arith.constant 0 : i32
    %scan3A_60 = arith.constant 20 : i32
    %scan3A_61 = arith.addi %scan3A_59, %scan3A_60 : i32
    %scan3A_62 = arith.constant 1 : i32
    scf.for %scan3A_68 = %scan3A_59 to %scan3A_61 step %scan3A_62  : i32 {
      %mul3A_69 = arith.constant 8 : i32
      %mul3A_70 = arith.muli %scan3A_68, %mul3A_69 : i32
      %add3A_71 = arith.constant 0 : i32
      %add3A_72 = arith.addi %mul3A_70, %add3A_71 : i32
      %dma_start3A = arith.constant 0 : i32
      %dma_start3A_73 = tpu.memref_slice %arg5[%add3A_72, %dma_start3A] : memref<160x128xi32, #tpu.memory_space<vmem>> -> memref<1x128xi32, #tpu.memory_space<vmem>>
      %dma_start3A_74 = tpu.memref_squeeze %dma_start3A_73 : memref<1x128xi32, #tpu.memory_space<vmem>> -> memref<128xi32, #tpu.memory_space<vmem>>
      %dma_start3A_75 = arith.constant 0 : i32
      %dma_start3A_76 = tpu.memref_slice %arg8[%dma_start3A_75] : memref<20480xf32, #tpu.memory_space<vmem_shared>> -> memref<20480xf32, #tpu.memory_space<vmem_shared>>
      tpu.enqueue_indirect_dma source(%arg6 : memref<128xf32, #tpu.memory_space<vmem>>) target(%dma_start3A_76 : memref<20480xf32, #tpu.memory_space<vmem_shared>>) offsets(%dma_start3A_74 : memref<128xi32, #tpu.memory_space<vmem>>) semaphore(%arg9 : memref<!tpu.dma_semaphore, #tpu.memory_space<semaphore_mem>>) {add = true}
      %add3A_77 = arith.constant 1 : i32
      %add3A_78 = arith.addi %mul3A_70, %add3A_77 : i32
      %dma_start3A_79 = arith.constant 0 : i32
      %dma_start3A_80 = tpu.memref_slice %arg5[%add3A_78, %dma_start3A_79] : memref<160x128xi32, #tpu.memory_space<vmem>> -> memref<1x128xi32, #tpu.memory_space<vmem>>
      %dma_start3A_81 = tpu.memref_squeeze %dma_start3A_80 : memref<1x128xi32, #tpu.memory_space<vmem>> -> memref<128xi32, #tpu.memory_space<vmem>>
      %dma_start3A_82 = arith.constant 0 : i32
      %dma_start3A_83 = tpu.memref_slice %arg8[%dma_start3A_82] : memref<20480xf32, #tpu.memory_space<vmem_shared>> -> memref<20480xf32, #tpu.memory_space<vmem_shared>>
      tpu.enqueue_indirect_dma source(%arg6 : memref<128xf32, #tpu.memory_space<vmem>>) target(%dma_start3A_83 : memref<20480xf32, #tpu.memory_space<vmem_shared>>) offsets(%dma_start3A_81 : memref<128xi32, #tpu.memory_space<vmem>>) semaphore(%arg9 : memref<!tpu.dma_semaphore, #tpu.memory_space<semaphore_mem>>) {add = true}
      %add3A_84 = arith.constant 2 : i32
      %add3A_85 = arith.addi %mul3A_70, %add3A_84 : i32
      %dma_start3A_86 = arith.constant 0 : i32
      %dma_start3A_87 = tpu.memref_slice %arg5[%add3A_85, %dma_start3A_86] : memref<160x128xi32, #tpu.memory_space<vmem>> -> memref<1x128xi32, #tpu.memory_space<vmem>>
      %dma_start3A_88 = tpu.memref_squeeze %dma_start3A_87 : memref<1x128xi32, #tpu.memory_space<vmem>> -> memref<128xi32, #tpu.memory_space<vmem>>
      %dma_start3A_89 = arith.constant 0 : i32
      %dma_start3A_90 = tpu.memref_slice %arg8[%dma_start3A_89] : memref<20480xf32, #tpu.memory_space<vmem_shared>> -> memref<20480xf32, #tpu.memory_space<vmem_shared>>
      tpu.enqueue_indirect_dma source(%arg6 : memref<128xf32, #tpu.memory_space<vmem>>) target(%dma_start3A_90 : memref<20480xf32, #tpu.memory_space<vmem_shared>>) offsets(%dma_start3A_88 : memref<128xi32, #tpu.memory_space<vmem>>) semaphore(%arg9 : memref<!tpu.dma_semaphore, #tpu.memory_space<semaphore_mem>>) {add = true}
      %add3A_91 = arith.constant 3 : i32
      %add3A_92 = arith.addi %mul3A_70, %add3A_91 : i32
      %dma_start3A_93 = arith.constant 0 : i32
      %dma_start3A_94 = tpu.memref_slice %arg5[%add3A_92, %dma_start3A_93] : memref<160x128xi32, #tpu.memory_space<vmem>> -> memref<1x128xi32, #tpu.memory_space<vmem>>
      %dma_start3A_95 = tpu.memref_squeeze %dma_start3A_94 : memref<1x128xi32, #tpu.memory_space<vmem>> -> memref<128xi32, #tpu.memory_space<vmem>>
      %dma_start3A_96 = arith.constant 0 : i32
      %dma_start3A_97 = tpu.memref_slice %arg8[%dma_start3A_96] : memref<20480xf32, #tpu.memory_space<vmem_shared>> -> memref<20480xf32, #tpu.memory_space<vmem_shared>>
      tpu.enqueue_indirect_dma source(%arg6 : memref<128xf32, #tpu.memory_space<vmem>>) target(%dma_start3A_97 : memref<20480xf32, #tpu.memory_space<vmem_shared>>) offsets(%dma_start3A_95 : memref<128xi32, #tpu.memory_space<vmem>>) semaphore(%arg9 : memref<!tpu.dma_semaphore, #tpu.memory_space<semaphore_mem>>) {add = true}
      %add3A_98 = arith.constant 4 : i32
      %add3A_99 = arith.addi %mul3A_70, %add3A_98 : i32
      %dma_start3A_100 = arith.constant 0 : i32
      %dma_start3A_101 = tpu.memref_slice %arg5[%add3A_99, %dma_start3A_100] : memref<160x128xi32, #tpu.memory_space<vmem>> -> memref<1x128xi32, #tpu.memory_space<vmem>>
      %dma_start3A_102 = tpu.memref_squeeze %dma_start3A_101 : memref<1x128xi32, #tpu.memory_space<vmem>> -> memref<128xi32, #tpu.memory_space<vmem>>
      %dma_start3A_103 = arith.constant 0 : i32
      %dma_start3A_104 = tpu.memref_slice %arg8[%dma_start3A_103] : memref<20480xf32, #tpu.memory_space<vmem_shared>> -> memref<20480xf32, #tpu.memory_space<vmem_shared>>
      tpu.enqueue_indirect_dma source(%arg6 : memref<128xf32, #tpu.memory_space<vmem>>) target(%dma_start3A_104 : memref<20480xf32, #tpu.memory_space<vmem_shared>>) offsets(%dma_start3A_102 : memref<128xi32, #tpu.memory_space<vmem>>) semaphore(%arg9 : memref<!tpu.dma_semaphore, #tpu.memory_space<semaphore_mem>>) {add = true}
      %add3A_105 = arith.constant 5 : i32
      %add3A_106 = arith.addi %mul3A_70, %add3A_105 : i32
      %dma_start3A_107 = arith.constant 0 : i32
      %dma_start3A_108 = tpu.memref_slice %arg5[%add3A_106, %dma_start3A_107] : memref<160x128xi32, #tpu.memory_space<vmem>> -> memref<1x128xi32, #tpu.memory_space<vmem>>
      %dma_start3A_109 = tpu.memref_squeeze %dma_start3A_108 : memref<1x128xi32, #tpu.memory_space<vmem>> -> memref<128xi32, #tpu.memory_space<vmem>>
      %dma_start3A_110 = arith.constant 0 : i32
      %dma_start3A_111 = tpu.memref_slice %arg8[%dma_start3A_110] : memref<20480xf32, #tpu.memory_space<vmem_shared>> -> memref<20480xf32, #tpu.memory_space<vmem_shared>>
      tpu.enqueue_indirect_dma source(%arg6 : memref<128xf32, #tpu.memory_space<vmem>>) target(%dma_start3A_111 : memref<20480xf32, #tpu.memory_space<vmem_shared>>) offsets(%dma_start3A_109 : memref<128xi32, #tpu.memory_space<vmem>>) semaphore(%arg9 : memref<!tpu.dma_semaphore, #tpu.memory_space<semaphore_mem>>) {add = true}
      %add3A_112 = arith.constant 6 : i32
      %add3A_113 = arith.addi %mul3A_70, %add3A_112 : i32
      %dma_start3A_114 = arith.constant 0 : i32
      %dma_start3A_115 = tpu.memref_slice %arg5[%add3A_113, %dma_start3A_114] : memref<160x128xi32, #tpu.memory_space<vmem>> -> memref<1x128xi32, #tpu.memory_space<vmem>>
      %dma_start3A_116 = tpu.memref_squeeze %dma_start3A_115 : memref<1x128xi32, #tpu.memory_space<vmem>> -> memref<128xi32, #tpu.memory_space<vmem>>
      %dma_start3A_117 = arith.constant 0 : i32
      %dma_start3A_118 = tpu.memref_slice %arg8[%dma_start3A_117] : memref<20480xf32, #tpu.memory_space<vmem_shared>> -> memref<20480xf32, #tpu.memory_space<vmem_shared>>
      tpu.enqueue_indirect_dma source(%arg6 : memref<128xf32, #tpu.memory_space<vmem>>) target(%dma_start3A_118 : memref<20480xf32, #tpu.memory_space<vmem_shared>>) offsets(%dma_start3A_116 : memref<128xi32, #tpu.memory_space<vmem>>) semaphore(%arg9 : memref<!tpu.dma_semaphore, #tpu.memory_space<semaphore_mem>>) {add = true}
      %add3A_119 = arith.constant 7 : i32
      %add3A_120 = arith.addi %mul3A_70, %add3A_119 : i32
      %dma_start3A_121 = arith.constant 0 : i32
      %dma_start3A_122 = tpu.memref_slice %arg5[%add3A_120, %dma_start3A_121] : memref<160x128xi32, #tpu.memory_space<vmem>> -> memref<1x128xi32, #tpu.memory_space<vmem>>
      %dma_start3A_123 = tpu.memref_squeeze %dma_start3A_122 : memref<1x128xi32, #tpu.memory_space<vmem>> -> memref<128xi32, #tpu.memory_space<vmem>>
      %dma_start3A_124 = arith.constant 0 : i32
      %dma_start3A_125 = tpu.memref_slice %arg8[%dma_start3A_124] : memref<20480xf32, #tpu.memory_space<vmem_shared>> -> memref<20480xf32, #tpu.memory_space<vmem_shared>>
      tpu.enqueue_indirect_dma source(%arg6 : memref<128xf32, #tpu.memory_space<vmem>>) target(%dma_start3A_125 : memref<20480xf32, #tpu.memory_space<vmem_shared>>) offsets(%dma_start3A_123 : memref<128xi32, #tpu.memory_space<vmem>>) semaphore(%arg9 : memref<!tpu.dma_semaphore, #tpu.memory_space<semaphore_mem>>) {add = true}
      %add3A_126 = arith.constant 0 : i32
      %add3A_127 = arith.addi %mul3A_70, %add3A_126 : i32
      %dma_wait3A = arith.constant 0 : i32
      %dma_wait3A_128 = tpu.memref_slice %arg5[%add3A_127, %dma_wait3A] : memref<160x128xi32, #tpu.memory_space<vmem>> -> memref<1x128xi32, #tpu.memory_space<vmem>>
      %dma_wait3A_129 = tpu.memref_squeeze %dma_wait3A_128 : memref<1x128xi32, #tpu.memory_space<vmem>> -> memref<128xi32, #tpu.memory_space<vmem>>
      %dma_wait3A_130 = arith.constant 0 : i32
      %dma_wait3A_131 = tpu.memref_slice %arg8[%dma_wait3A_130] : memref<20480xf32, #tpu.memory_space<vmem_shared>> -> memref<20480xf32, #tpu.memory_space<vmem_shared>>
      tpu.wait_indirect_dma semaphore(%arg9 : memref<!tpu.dma_semaphore, #tpu.memory_space<semaphore_mem>>) src(%arg6 : memref<128xf32, #tpu.memory_space<vmem>>) dst(%dma_wait3A_131 : memref<20480xf32, #tpu.memory_space<vmem_shared>>)
      %add3A_132 = arith.constant 1 : i32
      %add3A_133 = arith.addi %mul3A_70, %add3A_132 : i32
      %dma_wait3A_134 = arith.constant 0 : i32
      %dma_wait3A_135 = tpu.memref_slice %arg5[%add3A_133, %dma_wait3A_134] : memref<160x128xi32, #tpu.memory_space<vmem>> -> memref<1x128xi32, #tpu.memory_space<vmem>>
      %dma_wait3A_136 = tpu.memref_squeeze %dma_wait3A_135 : memref<1x128xi32, #tpu.memory_space<vmem>> -> memref<128xi32, #tpu.memory_space<vmem>>
      %dma_wait3A_137 = arith.constant 0 : i32
      %dma_wait3A_138 = tpu.memref_slice %arg8[%dma_wait3A_137] : memref<20480xf32, #tpu.memory_space<vmem_shared>> -> memref<20480xf32, #tpu.memory_space<vmem_shared>>
      tpu.wait_indirect_dma semaphore(%arg9 : memref<!tpu.dma_semaphore, #tpu.memory_space<semaphore_mem>>) src(%arg6 : memref<128xf32, #tpu.memory_space<vmem>>) dst(%dma_wait3A_138 : memref<20480xf32, #tpu.memory_space<vmem_shared>>)
      %add3A_139 = arith.constant 2 : i32
      %add3A_140 = arith.addi %mul3A_70, %add3A_139 : i32
      %dma_wait3A_141 = arith.constant 0 : i32
      %dma_wait3A_142 = tpu.memref_slice %arg5[%add3A_140, %dma_wait3A_141] : memref<160x128xi32, #tpu.memory_space<vmem>> -> memref<1x128xi32, #tpu.memory_space<vmem>>
      %dma_wait3A_143 = tpu.memref_squeeze %dma_wait3A_142 : memref<1x128xi32, #tpu.memory_space<vmem>> -> memref<128xi32, #tpu.memory_space<vmem>>
      %dma_wait3A_144 = arith.constant 0 : i32
      %dma_wait3A_145 = tpu.memref_slice %arg8[%dma_wait3A_144] : memref<20480xf32, #tpu.memory_space<vmem_shared>> -> memref<20480xf32, #tpu.memory_space<vmem_shared>>
      tpu.wait_indirect_dma semaphore(%arg9 : memref<!tpu.dma_semaphore, #tpu.memory_space<semaphore_mem>>) src(%arg6 : memref<128xf32, #tpu.memory_space<vmem>>) dst(%dma_wait3A_145 : memref<20480xf32, #tpu.memory_space<vmem_shared>>)
      %add3A_146 = arith.constant 3 : i32
      %add3A_147 = arith.addi %mul3A_70, %add3A_146 : i32
      %dma_wait3A_148 = arith.constant 0 : i32
      %dma_wait3A_149 = tpu.memref_slice %arg5[%add3A_147, %dma_wait3A_148] : memref<160x128xi32, #tpu.memory_space<vmem>> -> memref<1x128xi32, #tpu.memory_space<vmem>>
      %dma_wait3A_150 = tpu.memref_squeeze %dma_wait3A_149 : memref<1x128xi32, #tpu.memory_space<vmem>> -> memref<128xi32, #tpu.memory_space<vmem>>
      %dma_wait3A_151 = arith.constant 0 : i32
      %dma_wait3A_152 = tpu.memref_slice %arg8[%dma_wait3A_151] : memref<20480xf32, #tpu.memory_space<vmem_shared>> -> memref<20480xf32, #tpu.memory_space<vmem_shared>>
      tpu.wait_indirect_dma semaphore(%arg9 : memref<!tpu.dma_semaphore, #tpu.memory_space<semaphore_mem>>) src(%arg6 : memref<128xf32, #tpu.memory_space<vmem>>) dst(%dma_wait3A_152 : memref<20480xf32, #tpu.memory_space<vmem_shared>>)
      %add3A_153 = arith.constant 4 : i32
      %add3A_154 = arith.addi %mul3A_70, %add3A_153 : i32
      %dma_wait3A_155 = arith.constant 0 : i32
      %dma_wait3A_156 = tpu.memref_slice %arg5[%add3A_154, %dma_wait3A_155] : memref<160x128xi32, #tpu.memory_space<vmem>> -> memref<1x128xi32, #tpu.memory_space<vmem>>
      %dma_wait3A_157 = tpu.memref_squeeze %dma_wait3A_156 : memref<1x128xi32, #tpu.memory_space<vmem>> -> memref<128xi32, #tpu.memory_space<vmem>>
      %dma_wait3A_158 = arith.constant 0 : i32
      %dma_wait3A_159 = tpu.memref_slice %arg8[%dma_wait3A_158] : memref<20480xf32, #tpu.memory_space<vmem_shared>> -> memref<20480xf32, #tpu.memory_space<vmem_shared>>
      tpu.wait_indirect_dma semaphore(%arg9 : memref<!tpu.dma_semaphore, #tpu.memory_space<semaphore_mem>>) src(%arg6 : memref<128xf32, #tpu.memory_space<vmem>>) dst(%dma_wait3A_159 : memref<20480xf32, #tpu.memory_space<vmem_shared>>)
      %add3A_160 = arith.constant 5 : i32
      %add3A_161 = arith.addi %mul3A_70, %add3A_160 : i32
      %dma_wait3A_162 = arith.constant 0 : i32
      %dma_wait3A_163 = tpu.memref_slice %arg5[%add3A_161, %dma_wait3A_162] : memref<160x128xi32, #tpu.memory_space<vmem>> -> memref<1x128xi32, #tpu.memory_space<vmem>>
      %dma_wait3A_164 = tpu.memref_squeeze %dma_wait3A_163 : memref<1x128xi32, #tpu.memory_space<vmem>> -> memref<128xi32, #tpu.memory_space<vmem>>
      %dma_wait3A_165 = arith.constant 0 : i32
      %dma_wait3A_166 = tpu.memref_slice %arg8[%dma_wait3A_165] : memref<20480xf32, #tpu.memory_space<vmem_shared>> -> memref<20480xf32, #tpu.memory_space<vmem_shared>>
      tpu.wait_indirect_dma semaphore(%arg9 : memref<!tpu.dma_semaphore, #tpu.memory_space<semaphore_mem>>) src(%arg6 : memref<128xf32, #tpu.memory_space<vmem>>) dst(%dma_wait3A_166 : memref<20480xf32, #tpu.memory_space<vmem_shared>>)
      %add3A_167 = arith.constant 6 : i32
      %add3A_168 = arith.addi %mul3A_70, %add3A_167 : i32
      %dma_wait3A_169 = arith.constant 0 : i32
      %dma_wait3A_170 = tpu.memref_slice %arg5[%add3A_168, %dma_wait3A_169] : memref<160x128xi32, #tpu.memory_space<vmem>> -> memref<1x128xi32, #tpu.memory_space<vmem>>
      %dma_wait3A_171 = tpu.memref_squeeze %dma_wait3A_170 : memref<1x128xi32, #tpu.memory_space<vmem>> -> memref<128xi32, #tpu.memory_space<vmem>>
      %dma_wait3A_172 = arith.constant 0 : i32
      %dma_wait3A_173 = tpu.memref_slice %arg8[%dma_wait3A_172] : memref<20480xf32, #tpu.memory_space<vmem_shared>> -> memref<20480xf32, #tpu.memory_space<vmem_shared>>
      tpu.wait_indirect_dma semaphore(%arg9 : memref<!tpu.dma_semaphore, #tpu.memory_space<semaphore_mem>>) src(%arg6 : memref<128xf32, #tpu.memory_space<vmem>>) dst(%dma_wait3A_173 : memref<20480xf32, #tpu.memory_space<vmem_shared>>)
      %add3A_174 = arith.constant 7 : i32
      %add3A_175 = arith.addi %mul3A_70, %add3A_174 : i32
      %dma_wait3A_176 = arith.constant 0 : i32
      %dma_wait3A_177 = tpu.memref_slice %arg5[%add3A_175, %dma_wait3A_176] : memref<160x128xi32, #tpu.memory_space<vmem>> -> memref<1x128xi32, #tpu.memory_space<vmem>>
      %dma_wait3A_178 = tpu.memref_squeeze %dma_wait3A_177 : memref<1x128xi32, #tpu.memory_space<vmem>> -> memref<128xi32, #tpu.memory_space<vmem>>
      %dma_wait3A_179 = arith.constant 0 : i32
      %dma_wait3A_180 = tpu.memref_slice %arg8[%dma_wait3A_179] : memref<20480xf32, #tpu.memory_space<vmem_shared>> -> memref<20480xf32, #tpu.memory_space<vmem_shared>>
      tpu.wait_indirect_dma semaphore(%arg9 : memref<!tpu.dma_semaphore, #tpu.memory_space<semaphore_mem>>) src(%arg6 : memref<128xf32, #tpu.memory_space<vmem>>) dst(%dma_wait3A_180 : memref<20480xf32, #tpu.memory_space<vmem_shared>>)
    }
    %scan3A_63 = arith.constant 20 : i32
    %barrier3A_64 = arith.constant 0 : index
    tpu.barrier barrier_id(%barrier3A_64)
    %run_scoped3A = arith.constant 0 : i32
    "tpu.region"() ({
      %run_scoped3A_68 = tpu.sem_alloc : memref<!tpu.dma_semaphore, #tpu.memory_space<semaphore_mem>>
      %dma_start3A = tpu.memref_slice %arg4[%arg0, %run_scoped3A, %mul3A_51] : memref<2x2x10240xf32, #tpu.memory_space<hbm>> -> memref<1x1x640xf32, #tpu.memory_space<hbm>>
      %dma_start3A_69 = tpu.memref_squeeze %dma_start3A : memref<1x1x640xf32, #tpu.memory_space<hbm>> -> memref<640xf32, #tpu.memory_space<hbm>>
      %dma_start3A_70 = tpu.memref_slice %arg8[%mul3A_51] : memref<20480xf32, #tpu.memory_space<vmem_shared>> -> memref<640xf32, #tpu.memory_space<vmem_shared>>
      tpu.enqueue_dma source(%dma_start3A_70 : memref<640xf32, #tpu.memory_space<vmem_shared>>) target(%dma_start3A_69 : memref<640xf32, #tpu.memory_space<hbm>>) target_semaphore(%run_scoped3A_68 : memref<!tpu.dma_semaphore, #tpu.memory_space<semaphore_mem>>)
      %dma_wait3A = tpu.memref_slice %arg4[%arg0, %run_scoped3A, %mul3A_51] : memref<2x2x10240xf32, #tpu.memory_space<hbm>> -> memref<1x1x640xf32, #tpu.memory_space<hbm>>
      %dma_wait3A_71 = tpu.memref_squeeze %dma_wait3A : memref<1x1x640xf32, #tpu.memory_space<hbm>> -> memref<640xf32, #tpu.memory_space<hbm>>
      %dma_wait3A_72 = tpu.memref_slice %arg8[%mul3A_51] : memref<20480xf32, #tpu.memory_space<vmem_shared>> -> memref<640xf32, #tpu.memory_space<vmem_shared>>
      tpu.wait_dma2 semaphore(%run_scoped3A_68 : memref<!tpu.dma_semaphore, #tpu.memory_space<semaphore_mem>>) src(%dma_wait3A_72 : memref<640xf32, #tpu.memory_space<vmem_shared>>) dst(%dma_wait3A_71 : memref<640xf32, #tpu.memory_space<hbm>>)
      tpu.yield
    }) : () -> ()
    %add3A_65 = arith.constant 10240 : i32
    %add3A_66 = arith.addi %add3A_65, %mul3A_51 : i32
    %run_scoped3A_67 = arith.constant 1 : i32
    "tpu.region"() ({
      %run_scoped3A_68 = tpu.sem_alloc : memref<!tpu.dma_semaphore, #tpu.memory_space<semaphore_mem>>
      %dma_start3A = tpu.memref_slice %arg4[%arg0, %run_scoped3A_67, %mul3A_51] : memref<2x2x10240xf32, #tpu.memory_space<hbm>> -> memref<1x1x640xf32, #tpu.memory_space<hbm>>
      %dma_start3A_69 = tpu.memref_squeeze %dma_start3A : memref<1x1x640xf32, #tpu.memory_space<hbm>> -> memref<640xf32, #tpu.memory_space<hbm>>
      %dma_start3A_70 = tpu.memref_slice %arg8[%add3A_66] : memref<20480xf32, #tpu.memory_space<vmem_shared>> -> memref<640xf32, #tpu.memory_space<vmem_shared>>
      tpu.enqueue_dma source(%dma_start3A_70 : memref<640xf32, #tpu.memory_space<vmem_shared>>) target(%dma_start3A_69 : memref<640xf32, #tpu.memory_space<hbm>>) target_semaphore(%run_scoped3A_68 : memref<!tpu.dma_semaphore, #tpu.memory_space<semaphore_mem>>)
      %dma_wait3A = tpu.memref_slice %arg4[%arg0, %run_scoped3A_67, %mul3A_51] : memref<2x2x10240xf32, #tpu.memory_space<hbm>> -> memref<1x1x640xf32, #tpu.memory_space<hbm>>
      %dma_wait3A_71 = tpu.memref_squeeze %dma_wait3A : memref<1x1x640xf32, #tpu.memory_space<hbm>> -> memref<640xf32, #tpu.memory_space<hbm>>
      %dma_wait3A_72 = tpu.memref_slice %arg8[%add3A_66] : memref<20480xf32, #tpu.memory_space<vmem_shared>> -> memref<640xf32, #tpu.memory_space<vmem_shared>>
      tpu.wait_dma2 semaphore(%run_scoped3A_68 : memref<!tpu.dma_semaphore, #tpu.memory_space<semaphore_mem>>) src(%dma_wait3A_72 : memref<640xf32, #tpu.memory_space<vmem_shared>>) dst(%dma_wait3A_71 : memref<640xf32, #tpu.memory_space<hbm>>)
      tpu.yield
    }) : () -> ()
    return
  }
}

#map = affine_map<(d0, d1) -> (0, 0)>
#map1 = affine_map<(d0, d1) -> (0, 0, 0)>
module attributes {stable_mosaic.version = 14 : i64} {
  func.func @_agg_kernel(%arg0: i32, %arg1: i32, %arg2: memref<10240x128xf32, #tpu.memory_space<hbm>>, %arg3: memref<2560x128xi32, #tpu.memory_space<hbm>>, %arg4: memref<2560x128xi32, #tpu.memory_space<hbm>>, %arg5: memref<640x128xf32, #tpu.memory_space<hbm>>, %arg6: memref<2x10240x128xf32, #tpu.memory_space<hbm>>, %arg7: memref<40x128xi32, #tpu.memory_space<vmem>>, %arg8: memref<40x128xi32, #tpu.memory_space<vmem>>, %arg9: memref<128x128xf32, #tpu.memory_space<vmem>>, %arg10: memref<128x128xf32, #tpu.memory_space<vmem>>, %arg11: memref<10240x128xf32, #tpu.memory_space<vmem_shared>>, %arg12: memref<!tpu.dma_semaphore, #tpu.memory_space<semaphore_mem>>, %arg13: memref<!tpu.dma_semaphore, #tpu.memory_space<semaphore_mem>>) attributes {dimension_semantics = [#tpu.dimension_semantics<core_parallel>, #tpu.dimension_semantics<subcore_parallel>], iteration_bounds = array<i64: 2, 16>, scalar_prefetch = 0 : i64, scratch_operands = 7 : i64, tpu.core_type = #tpu.core_type<sc_vector_subcore>, window_params = [{transform_indices = #map}, {transform_indices = #map}, {transform_indices = #map}, {transform_indices = #map}, {transform_indices = #map1}]} {
    %mul3A = arith.constant 640 : i32
    %mul3A_0 = arith.muli %arg1, %mul3A : i32
    "tpu.region"() ({
      %run_scoped3A = tpu.sem_alloc : memref<!tpu.dma_semaphore, #tpu.memory_space<semaphore_mem>>
      %dma_start3A_34 = arith.constant 0 : i32
      %dma_start3A_35 = tpu.memref_slice %arg11[%mul3A_0, %dma_start3A_34] : memref<10240x128xf32, #tpu.memory_space<vmem_shared>> -> memref<640x128xf32, #tpu.memory_space<vmem_shared>>
      tpu.enqueue_dma source(%arg5 : memref<640x128xf32, #tpu.memory_space<hbm>>) target(%dma_start3A_35 : memref<640x128xf32, #tpu.memory_space<vmem_shared>>) target_semaphore(%run_scoped3A : memref<!tpu.dma_semaphore, #tpu.memory_space<semaphore_mem>>)
      %dma_wait3A = arith.constant 0 : i32
      %dma_wait3A_36 = tpu.memref_slice %arg11[%mul3A_0, %dma_wait3A] : memref<10240x128xf32, #tpu.memory_space<vmem_shared>> -> memref<640x128xf32, #tpu.memory_space<vmem_shared>>
      tpu.wait_dma2 semaphore(%run_scoped3A : memref<!tpu.dma_semaphore, #tpu.memory_space<semaphore_mem>>) src(%arg5 : memref<640x128xf32, #tpu.memory_space<hbm>>) dst(%dma_wait3A_36 : memref<640x128xf32, #tpu.memory_space<vmem_shared>>)
      tpu.yield
    }) : () -> ()
    %barrier3A = arith.constant 0 : index
    tpu.barrier barrier_id(%barrier3A)
    %mul3A_1 = arith.constant 1280 : i32
    %mul3A_2 = arith.muli %arg0, %mul3A_1 : i32
    %mul3A_3 = arith.constant 80 : i32
    %mul3A_4 = arith.muli %arg1, %mul3A_3 : i32
    %add3A = arith.addi %mul3A_2, %mul3A_4 : i32
    %add3A_5 = arith.constant 0 : i32
    %add3A_6 = arith.addi %add3A, %add3A_5 : i32
    "tpu.region"() ({
      %run_scoped3A = tpu.sem_alloc : memref<!tpu.dma_semaphore, #tpu.memory_space<semaphore_mem>>
      %dma_start3A_34 = arith.constant 0 : i32
      %dma_start3A_35 = tpu.memref_slice %arg3[%add3A_6, %dma_start3A_34] : memref<2560x128xi32, #tpu.memory_space<hbm>> -> memref<40x128xi32, #tpu.memory_space<hbm>>
      %dma_start3A_36 = arith.constant 0 : i32
      %dma_start3A_37 = tpu.memref_slice %arg3[%add3A_6, %dma_start3A_36] : memref<2560x128xi32, #tpu.memory_space<hbm>> -> memref<40x128xi32, #tpu.memory_space<hbm>>
      tpu.enqueue_dma source(%dma_start3A_37 : memref<40x128xi32, #tpu.memory_space<hbm>>) target(%arg7 : memref<40x128xi32, #tpu.memory_space<vmem>>) target_semaphore(%run_scoped3A : memref<!tpu.dma_semaphore, #tpu.memory_space<semaphore_mem>>)
      %dma_wait3A = arith.constant 0 : i32
      %dma_wait3A_38 = tpu.memref_slice %arg3[%add3A_6, %dma_wait3A] : memref<2560x128xi32, #tpu.memory_space<hbm>> -> memref<40x128xi32, #tpu.memory_space<hbm>>
      %dma_wait3A_39 = arith.constant 0 : i32
      %dma_wait3A_40 = tpu.memref_slice %arg3[%add3A_6, %dma_wait3A_39] : memref<2560x128xi32, #tpu.memory_space<hbm>> -> memref<40x128xi32, #tpu.memory_space<hbm>>
      tpu.wait_dma2 semaphore(%run_scoped3A : memref<!tpu.dma_semaphore, #tpu.memory_space<semaphore_mem>>) src(%dma_wait3A_40 : memref<40x128xi32, #tpu.memory_space<hbm>>) dst(%arg7 : memref<40x128xi32, #tpu.memory_space<vmem>>)
      tpu.yield
    }) : () -> ()
    "tpu.region"() ({
      %run_scoped3A = tpu.sem_alloc : memref<!tpu.dma_semaphore, #tpu.memory_space<semaphore_mem>>
      %dma_start3A_34 = arith.constant 0 : i32
      %dma_start3A_35 = tpu.memref_slice %arg4[%add3A_6, %dma_start3A_34] : memref<2560x128xi32, #tpu.memory_space<hbm>> -> memref<40x128xi32, #tpu.memory_space<hbm>>
      %dma_start3A_36 = arith.constant 0 : i32
      %dma_start3A_37 = tpu.memref_slice %arg4[%add3A_6, %dma_start3A_36] : memref<2560x128xi32, #tpu.memory_space<hbm>> -> memref<40x128xi32, #tpu.memory_space<hbm>>
      tpu.enqueue_dma source(%dma_start3A_37 : memref<40x128xi32, #tpu.memory_space<hbm>>) target(%arg8 : memref<40x128xi32, #tpu.memory_space<vmem>>) target_semaphore(%run_scoped3A : memref<!tpu.dma_semaphore, #tpu.memory_space<semaphore_mem>>)
      %dma_wait3A = arith.constant 0 : i32
      %dma_wait3A_38 = tpu.memref_slice %arg4[%add3A_6, %dma_wait3A] : memref<2560x128xi32, #tpu.memory_space<hbm>> -> memref<40x128xi32, #tpu.memory_space<hbm>>
      %dma_wait3A_39 = arith.constant 0 : i32
      %dma_wait3A_40 = tpu.memref_slice %arg4[%add3A_6, %dma_wait3A_39] : memref<2560x128xi32, #tpu.memory_space<hbm>> -> memref<40x128xi32, #tpu.memory_space<hbm>>
      tpu.wait_dma2 semaphore(%run_scoped3A : memref<!tpu.dma_semaphore, #tpu.memory_space<semaphore_mem>>) src(%dma_wait3A_40 : memref<40x128xi32, #tpu.memory_space<hbm>>) dst(%arg8 : memref<40x128xi32, #tpu.memory_space<vmem>>)
      tpu.yield
    }) : () -> ()
    %dma_start3A = arith.constant 0 : i32
    %dma_start3A_7 = arith.constant 0 : i32
    %dma_start3A_8 = tpu.memref_slice %arg7[%dma_start3A, %dma_start3A_7] : memref<40x128xi32, #tpu.memory_space<vmem>> -> memref<1x128xi32, #tpu.memory_space<vmem>>
    %dma_start3A_9 = tpu.memref_squeeze %dma_start3A_8 : memref<1x128xi32, #tpu.memory_space<vmem>> -> memref<128xi32, #tpu.memory_space<vmem>>
    %dma_start3A_10 = arith.constant 0 : i32
    %dma_start3A_11 = arith.constant 0 : i32
    %dma_start3A_12 = tpu.memref_slice %arg2[%dma_start3A_10, %dma_start3A_11] : memref<10240x128xf32, #tpu.memory_space<hbm>> -> memref<10240x128xf32, #tpu.memory_space<hbm>>
    tpu.enqueue_indirect_dma source(%dma_start3A_12 : memref<10240x128xf32, #tpu.memory_space<hbm>>) target(%arg9 : memref<128x128xf32, #tpu.memory_space<vmem>>) offsets(%dma_start3A_9 : memref<128xi32, #tpu.memory_space<vmem>>) semaphore(%arg12 : memref<!tpu.dma_semaphore, #tpu.memory_space<semaphore_mem>>)
    %scan3A = arith.constant 0 : i32
    %scan3A_13 = arith.constant 0 : i32
    %scan3A_14 = arith.constant 20 : i32
    %scan3A_15 = arith.addi %scan3A_13, %scan3A_14 : i32
    %scan3A_16 = arith.constant 1 : i32
    scf.for %scan3A_34 = %scan3A_13 to %scan3A_15 step %scan3A_16  : i32 {
      %mul3A_35 = arith.constant 2 : i32
      %mul3A_36 = arith.muli %mul3A_35, %scan3A_34 : i32
      %add3A_37 = arith.constant 1 : i32
      %add3A_38 = arith.addi %mul3A_36, %add3A_37 : i32
      %dma_start3A_39 = arith.constant 0 : i32
      %dma_start3A_40 = tpu.memref_slice %arg7[%add3A_38, %dma_start3A_39] : memref<40x128xi32, #tpu.memory_space<vmem>> -> memref<1x128xi32, #tpu.memory_space<vmem>>
      %dma_start3A_41 = tpu.memref_squeeze %dma_start3A_40 : memref<1x128xi32, #tpu.memory_space<vmem>> -> memref<128xi32, #tpu.memory_space<vmem>>
      %dma_start3A_42 = arith.constant 0 : i32
      %dma_start3A_43 = arith.constant 0 : i32
      %dma_start3A_44 = tpu.memref_slice %arg2[%dma_start3A_42, %dma_start3A_43] : memref<10240x128xf32, #tpu.memory_space<hbm>> -> memref<10240x128xf32, #tpu.memory_space<hbm>>
      tpu.enqueue_indirect_dma source(%dma_start3A_44 : memref<10240x128xf32, #tpu.memory_space<hbm>>) target(%arg10 : memref<128x128xf32, #tpu.memory_space<vmem>>) offsets(%dma_start3A_41 : memref<128xi32, #tpu.memory_space<vmem>>) semaphore(%arg13 : memref<!tpu.dma_semaphore, #tpu.memory_space<semaphore_mem>>)
      %dma_wait3A = arith.constant 0 : i32
      %dma_wait3A_45 = tpu.memref_slice %arg7[%mul3A_36, %dma_wait3A] : memref<40x128xi32, #tpu.memory_space<vmem>> -> memref<1x128xi32, #tpu.memory_space<vmem>>
      %dma_wait3A_46 = tpu.memref_squeeze %dma_wait3A_45 : memref<1x128xi32, #tpu.memory_space<vmem>> -> memref<128xi32, #tpu.memory_space<vmem>>
      %dma_wait3A_47 = arith.constant 0 : i32
      %dma_wait3A_48 = arith.constant 0 : i32
      %dma_wait3A_49 = tpu.memref_slice %arg2[%dma_wait3A_47, %dma_wait3A_48] : memref<10240x128xf32, #tpu.memory_space<hbm>> -> memref<10240x128xf32, #tpu.memory_space<hbm>>
      tpu.wait_indirect_dma semaphore(%arg12 : memref<!tpu.dma_semaphore, #tpu.memory_space<semaphore_mem>>) src(%dma_wait3A_49 : memref<10240x128xf32, #tpu.memory_space<hbm>>) dst(%arg9 : memref<128x128xf32, #tpu.memory_space<vmem>>)
      "tpu.region"() ({
        %run_scoped3A = tpu.sem_alloc : memref<!tpu.dma_semaphore, #tpu.memory_space<semaphore_mem>>
        %dma_start3A_62 = arith.constant 0 : i32
        %dma_start3A_63 = tpu.memref_slice %arg8[%mul3A_36, %dma_start3A_62] : memref<40x128xi32, #tpu.memory_space<vmem>> -> memref<1x128xi32, #tpu.memory_space<vmem>>
        %dma_start3A_64 = tpu.memref_squeeze %dma_start3A_63 : memref<1x128xi32, #tpu.memory_space<vmem>> -> memref<128xi32, #tpu.memory_space<vmem>>
        %dma_start3A_65 = arith.constant 0 : i32
        %dma_start3A_66 = arith.constant 0 : i32
        %dma_start3A_67 = tpu.memref_slice %arg11[%dma_start3A_65, %dma_start3A_66] : memref<10240x128xf32, #tpu.memory_space<vmem_shared>> -> memref<10240x128xf32, #tpu.memory_space<vmem_shared>>
        tpu.enqueue_indirect_dma source(%arg9 : memref<128x128xf32, #tpu.memory_space<vmem>>) target(%dma_start3A_67 : memref<10240x128xf32, #tpu.memory_space<vmem_shared>>) offsets(%dma_start3A_64 : memref<128xi32, #tpu.memory_space<vmem>>) semaphore(%run_scoped3A : memref<!tpu.dma_semaphore, #tpu.memory_space<semaphore_mem>>) {add = true}
        %dma_wait3A_68 = arith.constant 0 : i32
        %dma_wait3A_69 = tpu.memref_slice %arg8[%mul3A_36, %dma_wait3A_68] : memref<40x128xi32, #tpu.memory_space<vmem>> -> memref<1x128xi32, #tpu.memory_space<vmem>>
        %dma_wait3A_70 = tpu.memref_squeeze %dma_wait3A_69 : memref<1x128xi32, #tpu.memory_space<vmem>> -> memref<128xi32, #tpu.memory_space<vmem>>
        %dma_wait3A_71 = arith.constant 0 : i32
        %dma_wait3A_72 = arith.constant 0 : i32
        %dma_wait3A_73 = tpu.memref_slice %arg11[%dma_wait3A_71, %dma_wait3A_72] : memref<10240x128xf32, #tpu.memory_space<vmem_shared>> -> memref<10240x128xf32, #tpu.memory_space<vmem_shared>>
        tpu.wait_indirect_dma semaphore(%run_scoped3A : memref<!tpu.dma_semaphore, #tpu.memory_space<semaphore_mem>>) src(%arg9 : memref<128x128xf32, #tpu.memory_space<vmem>>) dst(%dma_wait3A_73 : memref<10240x128xf32, #tpu.memory_space<vmem_shared>>)
        tpu.yield
      }) : () -> ()
      %lt3A = arith.constant 19 : i32
      %lt3A_50 = arith.cmpi slt, %scan3A_34, %lt3A : i32
      %convert_element_type3A = arith.extui %lt3A_50 : i1 to i32
      %cond3A = arith.constant 0 : i32
      %cond3A_51 = arith.cmpi ne, %convert_element_type3A, %cond3A : i32
      scf.if %cond3A_51 {
        %add3A_62 = arith.constant 2 : i32
        %add3A_63 = arith.addi %mul3A_36, %add3A_62 : i32
        %dma_start3A_64 = arith.constant 0 : i32
        %dma_start3A_65 = tpu.memref_slice %arg7[%add3A_63, %dma_start3A_64] : memref<40x128xi32, #tpu.memory_space<vmem>> -> memref<1x128xi32, #tpu.memory_space<vmem>>
        %dma_start3A_66 = tpu.memref_squeeze %dma_start3A_65 : memref<1x128xi32, #tpu.memory_space<vmem>> -> memref<128xi32, #tpu.memory_space<vmem>>
        %dma_start3A_67 = arith.constant 0 : i32
        %dma_start3A_68 = arith.constant 0 : i32
        %dma_start3A_69 = tpu.memref_slice %arg2[%dma_start3A_67, %dma_start3A_68] : memref<10240x128xf32, #tpu.memory_space<hbm>> -> memref<10240x128xf32, #tpu.memory_space<hbm>>
        tpu.enqueue_indirect_dma source(%dma_start3A_69 : memref<10240x128xf32, #tpu.memory_space<hbm>>) target(%arg9 : memref<128x128xf32, #tpu.memory_space<vmem>>) offsets(%dma_start3A_66 : memref<128xi32, #tpu.memory_space<vmem>>) semaphore(%arg12 : memref<!tpu.dma_semaphore, #tpu.memory_space<semaphore_mem>>)
      } else {
      }
      %add3A_52 = arith.constant 1 : i32
      %add3A_53 = arith.addi %mul3A_36, %add3A_52 : i32
      %dma_wait3A_54 = arith.constant 0 : i32
      %dma_wait3A_55 = tpu.memref_slice %arg7[%add3A_53, %dma_wait3A_54] : memref<40x128xi32, #tpu.memory_space<vmem>> -> memref<1x128xi32, #tpu.memory_space<vmem>>
      %dma_wait3A_56 = tpu.memref_squeeze %dma_wait3A_55 : memref<1x128xi32, #tpu.memory_space<vmem>> -> memref<128xi32, #tpu.memory_space<vmem>>
      %dma_wait3A_57 = arith.constant 0 : i32
      %dma_wait3A_58 = arith.constant 0 : i32
      %dma_wait3A_59 = tpu.memref_slice %arg2[%dma_wait3A_57, %dma_wait3A_58] : memref<10240x128xf32, #tpu.memory_space<hbm>> -> memref<10240x128xf32, #tpu.memory_space<hbm>>
      tpu.wait_indirect_dma semaphore(%arg13 : memref<!tpu.dma_semaphore, #tpu.memory_space<semaphore_mem>>) src(%dma_wait3A_59 : memref<10240x128xf32, #tpu.memory_space<hbm>>) dst(%arg10 : memref<128x128xf32, #tpu.memory_space<vmem>>)
      %add3A_60 = arith.constant 1 : i32
      %add3A_61 = arith.addi %mul3A_36, %add3A_60 : i32
      "tpu.region"() ({
        %run_scoped3A = tpu.sem_alloc : memref<!tpu.dma_semaphore, #tpu.memory_space<semaphore_mem>>
        %dma_start3A_62 = arith.constant 0 : i32
        %dma_start3A_63 = tpu.memref_slice %arg8[%add3A_61, %dma_start3A_62] : memref<40x128xi32, #tpu.memory_space<vmem>> -> memref<1x128xi32, #tpu.memory_space<vmem>>
        %dma_start3A_64 = tpu.memref_squeeze %dma_start3A_63 : memref<1x128xi32, #tpu.memory_space<vmem>> -> memref<128xi32, #tpu.memory_space<vmem>>
        %dma_start3A_65 = arith.constant 0 : i32
        %dma_start3A_66 = arith.constant 0 : i32
        %dma_start3A_67 = tpu.memref_slice %arg11[%dma_start3A_65, %dma_start3A_66] : memref<10240x128xf32, #tpu.memory_space<vmem_shared>> -> memref<10240x128xf32, #tpu.memory_space<vmem_shared>>
        tpu.enqueue_indirect_dma source(%arg10 : memref<128x128xf32, #tpu.memory_space<vmem>>) target(%dma_start3A_67 : memref<10240x128xf32, #tpu.memory_space<vmem_shared>>) offsets(%dma_start3A_64 : memref<128xi32, #tpu.memory_space<vmem>>) semaphore(%run_scoped3A : memref<!tpu.dma_semaphore, #tpu.memory_space<semaphore_mem>>) {add = true}
        %dma_wait3A_68 = arith.constant 0 : i32
        %dma_wait3A_69 = tpu.memref_slice %arg8[%add3A_61, %dma_wait3A_68] : memref<40x128xi32, #tpu.memory_space<vmem>> -> memref<1x128xi32, #tpu.memory_space<vmem>>
        %dma_wait3A_70 = tpu.memref_squeeze %dma_wait3A_69 : memref<1x128xi32, #tpu.memory_space<vmem>> -> memref<128xi32, #tpu.memory_space<vmem>>
        %dma_wait3A_71 = arith.constant 0 : i32
        %dma_wait3A_72 = arith.constant 0 : i32
        %dma_wait3A_73 = tpu.memref_slice %arg11[%dma_wait3A_71, %dma_wait3A_72] : memref<10240x128xf32, #tpu.memory_space<vmem_shared>> -> memref<10240x128xf32, #tpu.memory_space<vmem_shared>>
        tpu.wait_indirect_dma semaphore(%run_scoped3A : memref<!tpu.dma_semaphore, #tpu.memory_space<semaphore_mem>>) src(%arg10 : memref<128x128xf32, #tpu.memory_space<vmem>>) dst(%dma_wait3A_73 : memref<10240x128xf32, #tpu.memory_space<vmem_shared>>)
        tpu.yield
      }) : () -> ()
    }
    %scan3A_17 = arith.constant 20 : i32
    %add3A_18 = arith.constant 40 : i32
    %add3A_19 = arith.addi %add3A, %add3A_18 : i32
    "tpu.region"() ({
      %run_scoped3A = tpu.sem_alloc : memref<!tpu.dma_semaphore, #tpu.memory_space<semaphore_mem>>
      %dma_start3A_34 = arith.constant 0 : i32
      %dma_start3A_35 = tpu.memref_slice %arg3[%add3A_19, %dma_start3A_34] : memref<2560x128xi32, #tpu.memory_space<hbm>> -> memref<40x128xi32, #tpu.memory_space<hbm>>
      %dma_start3A_36 = arith.constant 0 : i32
      %dma_start3A_37 = tpu.memref_slice %arg3[%add3A_19, %dma_start3A_36] : memref<2560x128xi32, #tpu.memory_space<hbm>> -> memref<40x128xi32, #tpu.memory_space<hbm>>
      tpu.enqueue_dma source(%dma_start3A_37 : memref<40x128xi32, #tpu.memory_space<hbm>>) target(%arg7 : memref<40x128xi32, #tpu.memory_space<vmem>>) target_semaphore(%run_scoped3A : memref<!tpu.dma_semaphore, #tpu.memory_space<semaphore_mem>>)
      %dma_wait3A = arith.constant 0 : i32
      %dma_wait3A_38 = tpu.memref_slice %arg3[%add3A_19, %dma_wait3A] : memref<2560x128xi32, #tpu.memory_space<hbm>> -> memref<40x128xi32, #tpu.memory_space<hbm>>
      %dma_wait3A_39 = arith.constant 0 : i32
      %dma_wait3A_40 = tpu.memref_slice %arg3[%add3A_19, %dma_wait3A_39] : memref<2560x128xi32, #tpu.memory_space<hbm>> -> memref<40x128xi32, #tpu.memory_space<hbm>>
      tpu.wait_dma2 semaphore(%run_scoped3A : memref<!tpu.dma_semaphore, #tpu.memory_space<semaphore_mem>>) src(%dma_wait3A_40 : memref<40x128xi32, #tpu.memory_space<hbm>>) dst(%arg7 : memref<40x128xi32, #tpu.memory_space<vmem>>)
      tpu.yield
    }) : () -> ()
    "tpu.region"() ({
      %run_scoped3A = tpu.sem_alloc : memref<!tpu.dma_semaphore, #tpu.memory_space<semaphore_mem>>
      %dma_start3A_34 = arith.constant 0 : i32
      %dma_start3A_35 = tpu.memref_slice %arg4[%add3A_19, %dma_start3A_34] : memref<2560x128xi32, #tpu.memory_space<hbm>> -> memref<40x128xi32, #tpu.memory_space<hbm>>
      %dma_start3A_36 = arith.constant 0 : i32
      %dma_start3A_37 = tpu.memref_slice %arg4[%add3A_19, %dma_start3A_36] : memref<2560x128xi32, #tpu.memory_space<hbm>> -> memref<40x128xi32, #tpu.memory_space<hbm>>
      tpu.enqueue_dma source(%dma_start3A_37 : memref<40x128xi32, #tpu.memory_space<hbm>>) target(%arg8 : memref<40x128xi32, #tpu.memory_space<vmem>>) target_semaphore(%run_scoped3A : memref<!tpu.dma_semaphore, #tpu.memory_space<semaphore_mem>>)
      %dma_wait3A = arith.constant 0 : i32
      %dma_wait3A_38 = tpu.memref_slice %arg4[%add3A_19, %dma_wait3A] : memref<2560x128xi32, #tpu.memory_space<hbm>> -> memref<40x128xi32, #tpu.memory_space<hbm>>
      %dma_wait3A_39 = arith.constant 0 : i32
      %dma_wait3A_40 = tpu.memref_slice %arg4[%add3A_19, %dma_wait3A_39] : memref<2560x128xi32, #tpu.memory_space<hbm>> -> memref<40x128xi32, #tpu.memory_space<hbm>>
      tpu.wait_dma2 semaphore(%run_scoped3A : memref<!tpu.dma_semaphore, #tpu.memory_space<semaphore_mem>>) src(%dma_wait3A_40 : memref<40x128xi32, #tpu.memory_space<hbm>>) dst(%arg8 : memref<40x128xi32, #tpu.memory_space<vmem>>)
      tpu.yield
    }) : () -> ()
    %dma_start3A_20 = arith.constant 0 : i32
    %dma_start3A_21 = arith.constant 0 : i32
    %dma_start3A_22 = tpu.memref_slice %arg7[%dma_start3A_20, %dma_start3A_21] : memref<40x128xi32, #tpu.memory_space<vmem>> -> memref<1x128xi32, #tpu.memory_space<vmem>>
    %dma_start3A_23 = tpu.memref_squeeze %dma_start3A_22 : memref<1x128xi32, #tpu.memory_space<vmem>> -> memref<128xi32, #tpu.memory_space<vmem>>
    %dma_start3A_24 = arith.constant 0 : i32
    %dma_start3A_25 = arith.constant 0 : i32
    %dma_start3A_26 = tpu.memref_slice %arg2[%dma_start3A_24, %dma_start3A_25] : memref<10240x128xf32, #tpu.memory_space<hbm>> -> memref<10240x128xf32, #tpu.memory_space<hbm>>
    tpu.enqueue_indirect_dma source(%dma_start3A_26 : memref<10240x128xf32, #tpu.memory_space<hbm>>) target(%arg9 : memref<128x128xf32, #tpu.memory_space<vmem>>) offsets(%dma_start3A_23 : memref<128xi32, #tpu.memory_space<vmem>>) semaphore(%arg12 : memref<!tpu.dma_semaphore, #tpu.memory_space<semaphore_mem>>)
    %scan3A_27 = arith.constant 0 : i32
    %scan3A_28 = arith.constant 0 : i32
    %scan3A_29 = arith.constant 20 : i32
    %scan3A_30 = arith.addi %scan3A_28, %scan3A_29 : i32
    %scan3A_31 = arith.constant 1 : i32
    scf.for %scan3A_34 = %scan3A_28 to %scan3A_30 step %scan3A_31  : i32 {
      %mul3A_35 = arith.constant 2 : i32
      %mul3A_36 = arith.muli %mul3A_35, %scan3A_34 : i32
      %add3A_37 = arith.constant 1 : i32
      %add3A_38 = arith.addi %mul3A_36, %add3A_37 : i32
      %dma_start3A_39 = arith.constant 0 : i32
      %dma_start3A_40 = tpu.memref_slice %arg7[%add3A_38, %dma_start3A_39] : memref<40x128xi32, #tpu.memory_space<vmem>> -> memref<1x128xi32, #tpu.memory_space<vmem>>
      %dma_start3A_41 = tpu.memref_squeeze %dma_start3A_40 : memref<1x128xi32, #tpu.memory_space<vmem>> -> memref<128xi32, #tpu.memory_space<vmem>>
      %dma_start3A_42 = arith.constant 0 : i32
      %dma_start3A_43 = arith.constant 0 : i32
      %dma_start3A_44 = tpu.memref_slice %arg2[%dma_start3A_42, %dma_start3A_43] : memref<10240x128xf32, #tpu.memory_space<hbm>> -> memref<10240x128xf32, #tpu.memory_space<hbm>>
      tpu.enqueue_indirect_dma source(%dma_start3A_44 : memref<10240x128xf32, #tpu.memory_space<hbm>>) target(%arg10 : memref<128x128xf32, #tpu.memory_space<vmem>>) offsets(%dma_start3A_41 : memref<128xi32, #tpu.memory_space<vmem>>) semaphore(%arg13 : memref<!tpu.dma_semaphore, #tpu.memory_space<semaphore_mem>>)
      %dma_wait3A = arith.constant 0 : i32
      %dma_wait3A_45 = tpu.memref_slice %arg7[%mul3A_36, %dma_wait3A] : memref<40x128xi32, #tpu.memory_space<vmem>> -> memref<1x128xi32, #tpu.memory_space<vmem>>
      %dma_wait3A_46 = tpu.memref_squeeze %dma_wait3A_45 : memref<1x128xi32, #tpu.memory_space<vmem>> -> memref<128xi32, #tpu.memory_space<vmem>>
      %dma_wait3A_47 = arith.constant 0 : i32
      %dma_wait3A_48 = arith.constant 0 : i32
      %dma_wait3A_49 = tpu.memref_slice %arg2[%dma_wait3A_47, %dma_wait3A_48] : memref<10240x128xf32, #tpu.memory_space<hbm>> -> memref<10240x128xf32, #tpu.memory_space<hbm>>
      tpu.wait_indirect_dma semaphore(%arg12 : memref<!tpu.dma_semaphore, #tpu.memory_space<semaphore_mem>>) src(%dma_wait3A_49 : memref<10240x128xf32, #tpu.memory_space<hbm>>) dst(%arg9 : memref<128x128xf32, #tpu.memory_space<vmem>>)
      "tpu.region"() ({
        %run_scoped3A = tpu.sem_alloc : memref<!tpu.dma_semaphore, #tpu.memory_space<semaphore_mem>>
        %dma_start3A_62 = arith.constant 0 : i32
        %dma_start3A_63 = tpu.memref_slice %arg8[%mul3A_36, %dma_start3A_62] : memref<40x128xi32, #tpu.memory_space<vmem>> -> memref<1x128xi32, #tpu.memory_space<vmem>>
        %dma_start3A_64 = tpu.memref_squeeze %dma_start3A_63 : memref<1x128xi32, #tpu.memory_space<vmem>> -> memref<128xi32, #tpu.memory_space<vmem>>
        %dma_start3A_65 = arith.constant 0 : i32
        %dma_start3A_66 = arith.constant 0 : i32
        %dma_start3A_67 = tpu.memref_slice %arg11[%dma_start3A_65, %dma_start3A_66] : memref<10240x128xf32, #tpu.memory_space<vmem_shared>> -> memref<10240x128xf32, #tpu.memory_space<vmem_shared>>
        tpu.enqueue_indirect_dma source(%arg9 : memref<128x128xf32, #tpu.memory_space<vmem>>) target(%dma_start3A_67 : memref<10240x128xf32, #tpu.memory_space<vmem_shared>>) offsets(%dma_start3A_64 : memref<128xi32, #tpu.memory_space<vmem>>) semaphore(%run_scoped3A : memref<!tpu.dma_semaphore, #tpu.memory_space<semaphore_mem>>) {add = true}
        %dma_wait3A_68 = arith.constant 0 : i32
        %dma_wait3A_69 = tpu.memref_slice %arg8[%mul3A_36, %dma_wait3A_68] : memref<40x128xi32, #tpu.memory_space<vmem>> -> memref<1x128xi32, #tpu.memory_space<vmem>>
        %dma_wait3A_70 = tpu.memref_squeeze %dma_wait3A_69 : memref<1x128xi32, #tpu.memory_space<vmem>> -> memref<128xi32, #tpu.memory_space<vmem>>
        %dma_wait3A_71 = arith.constant 0 : i32
        %dma_wait3A_72 = arith.constant 0 : i32
        %dma_wait3A_73 = tpu.memref_slice %arg11[%dma_wait3A_71, %dma_wait3A_72] : memref<10240x128xf32, #tpu.memory_space<vmem_shared>> -> memref<10240x128xf32, #tpu.memory_space<vmem_shared>>
        tpu.wait_indirect_dma semaphore(%run_scoped3A : memref<!tpu.dma_semaphore, #tpu.memory_space<semaphore_mem>>) src(%arg9 : memref<128x128xf32, #tpu.memory_space<vmem>>) dst(%dma_wait3A_73 : memref<10240x128xf32, #tpu.memory_space<vmem_shared>>)
        tpu.yield
      }) : () -> ()
      %lt3A = arith.constant 19 : i32
      %lt3A_50 = arith.cmpi slt, %scan3A_34, %lt3A : i32
      %convert_element_type3A = arith.extui %lt3A_50 : i1 to i32
      %cond3A = arith.constant 0 : i32
      %cond3A_51 = arith.cmpi ne, %convert_element_type3A, %cond3A : i32
      scf.if %cond3A_51 {
        %add3A_62 = arith.constant 2 : i32
        %add3A_63 = arith.addi %mul3A_36, %add3A_62 : i32
        %dma_start3A_64 = arith.constant 0 : i32
        %dma_start3A_65 = tpu.memref_slice %arg7[%add3A_63, %dma_start3A_64] : memref<40x128xi32, #tpu.memory_space<vmem>> -> memref<1x128xi32, #tpu.memory_space<vmem>>
        %dma_start3A_66 = tpu.memref_squeeze %dma_start3A_65 : memref<1x128xi32, #tpu.memory_space<vmem>> -> memref<128xi32, #tpu.memory_space<vmem>>
        %dma_start3A_67 = arith.constant 0 : i32
        %dma_start3A_68 = arith.constant 0 : i32
        %dma_start3A_69 = tpu.memref_slice %arg2[%dma_start3A_67, %dma_start3A_68] : memref<10240x128xf32, #tpu.memory_space<hbm>> -> memref<10240x128xf32, #tpu.memory_space<hbm>>
        tpu.enqueue_indirect_dma source(%dma_start3A_69 : memref<10240x128xf32, #tpu.memory_space<hbm>>) target(%arg9 : memref<128x128xf32, #tpu.memory_space<vmem>>) offsets(%dma_start3A_66 : memref<128xi32, #tpu.memory_space<vmem>>) semaphore(%arg12 : memref<!tpu.dma_semaphore, #tpu.memory_space<semaphore_mem>>)
      } else {
      }
      %add3A_52 = arith.constant 1 : i32
      %add3A_53 = arith.addi %mul3A_36, %add3A_52 : i32
      %dma_wait3A_54 = arith.constant 0 : i32
      %dma_wait3A_55 = tpu.memref_slice %arg7[%add3A_53, %dma_wait3A_54] : memref<40x128xi32, #tpu.memory_space<vmem>> -> memref<1x128xi32, #tpu.memory_space<vmem>>
      %dma_wait3A_56 = tpu.memref_squeeze %dma_wait3A_55 : memref<1x128xi32, #tpu.memory_space<vmem>> -> memref<128xi32, #tpu.memory_space<vmem>>
      %dma_wait3A_57 = arith.constant 0 : i32
      %dma_wait3A_58 = arith.constant 0 : i32
      %dma_wait3A_59 = tpu.memref_slice %arg2[%dma_wait3A_57, %dma_wait3A_58] : memref<10240x128xf32, #tpu.memory_space<hbm>> -> memref<10240x128xf32, #tpu.memory_space<hbm>>
      tpu.wait_indirect_dma semaphore(%arg13 : memref<!tpu.dma_semaphore, #tpu.memory_space<semaphore_mem>>) src(%dma_wait3A_59 : memref<10240x128xf32, #tpu.memory_space<hbm>>) dst(%arg10 : memref<128x128xf32, #tpu.memory_space<vmem>>)
      %add3A_60 = arith.constant 1 : i32
      %add3A_61 = arith.addi %mul3A_36, %add3A_60 : i32
      "tpu.region"() ({
        %run_scoped3A = tpu.sem_alloc : memref<!tpu.dma_semaphore, #tpu.memory_space<semaphore_mem>>
        %dma_start3A_62 = arith.constant 0 : i32
        %dma_start3A_63 = tpu.memref_slice %arg8[%add3A_61, %dma_start3A_62] : memref<40x128xi32, #tpu.memory_space<vmem>> -> memref<1x128xi32, #tpu.memory_space<vmem>>
        %dma_start3A_64 = tpu.memref_squeeze %dma_start3A_63 : memref<1x128xi32, #tpu.memory_space<vmem>> -> memref<128xi32, #tpu.memory_space<vmem>>
        %dma_start3A_65 = arith.constant 0 : i32
        %dma_start3A_66 = arith.constant 0 : i32
        %dma_start3A_67 = tpu.memref_slice %arg11[%dma_start3A_65, %dma_start3A_66] : memref<10240x128xf32, #tpu.memory_space<vmem_shared>> -> memref<10240x128xf32, #tpu.memory_space<vmem_shared>>
        tpu.enqueue_indirect_dma source(%arg10 : memref<128x128xf32, #tpu.memory_space<vmem>>) target(%dma_start3A_67 : memref<10240x128xf32, #tpu.memory_space<vmem_shared>>) offsets(%dma_start3A_64 : memref<128xi32, #tpu.memory_space<vmem>>) semaphore(%run_scoped3A : memref<!tpu.dma_semaphore, #tpu.memory_space<semaphore_mem>>) {add = true}
        %dma_wait3A_68 = arith.constant 0 : i32
        %dma_wait3A_69 = tpu.memref_slice %arg8[%add3A_61, %dma_wait3A_68] : memref<40x128xi32, #tpu.memory_space<vmem>> -> memref<1x128xi32, #tpu.memory_space<vmem>>
        %dma_wait3A_70 = tpu.memref_squeeze %dma_wait3A_69 : memref<1x128xi32, #tpu.memory_space<vmem>> -> memref<128xi32, #tpu.memory_space<vmem>>
        %dma_wait3A_71 = arith.constant 0 : i32
        %dma_wait3A_72 = arith.constant 0 : i32
        %dma_wait3A_73 = tpu.memref_slice %arg11[%dma_wait3A_71, %dma_wait3A_72] : memref<10240x128xf32, #tpu.memory_space<vmem_shared>> -> memref<10240x128xf32, #tpu.memory_space<vmem_shared>>
        tpu.wait_indirect_dma semaphore(%run_scoped3A : memref<!tpu.dma_semaphore, #tpu.memory_space<semaphore_mem>>) src(%arg10 : memref<128x128xf32, #tpu.memory_space<vmem>>) dst(%dma_wait3A_73 : memref<10240x128xf32, #tpu.memory_space<vmem_shared>>)
        tpu.yield
      }) : () -> ()
    }
    %scan3A_32 = arith.constant 20 : i32
    %barrier3A_33 = arith.constant 0 : index
    tpu.barrier barrier_id(%barrier3A_33)
    "tpu.region"() ({
      %run_scoped3A = tpu.sem_alloc : memref<!tpu.dma_semaphore, #tpu.memory_space<semaphore_mem>>
      %dma_start3A_34 = arith.constant 0 : i32
      %dma_start3A_35 = tpu.memref_slice %arg6[%arg0, %mul3A_0, %dma_start3A_34] : memref<2x10240x128xf32, #tpu.memory_space<hbm>> -> memref<1x640x128xf32, #tpu.memory_space<hbm>>
      %dma_start3A_36 = tpu.memref_squeeze %dma_start3A_35 : memref<1x640x128xf32, #tpu.memory_space<hbm>> -> memref<640x128xf32, #tpu.memory_space<hbm>>
      %dma_start3A_37 = arith.constant 0 : i32
      %dma_start3A_38 = tpu.memref_slice %arg11[%mul3A_0, %dma_start3A_37] : memref<10240x128xf32, #tpu.memory_space<vmem_shared>> -> memref<640x128xf32, #tpu.memory_space<vmem_shared>>
      tpu.enqueue_dma source(%dma_start3A_38 : memref<640x128xf32, #tpu.memory_space<vmem_shared>>) target(%dma_start3A_36 : memref<640x128xf32, #tpu.memory_space<hbm>>) target_semaphore(%run_scoped3A : memref<!tpu.dma_semaphore, #tpu.memory_space<semaphore_mem>>)
      %dma_wait3A = arith.constant 0 : i32
      %dma_wait3A_39 = tpu.memref_slice %arg6[%arg0, %mul3A_0, %dma_wait3A] : memref<2x10240x128xf32, #tpu.memory_space<hbm>> -> memref<1x640x128xf32, #tpu.memory_space<hbm>>
      %dma_wait3A_40 = tpu.memref_squeeze %dma_wait3A_39 : memref<1x640x128xf32, #tpu.memory_space<hbm>> -> memref<640x128xf32, #tpu.memory_space<hbm>>
      %dma_wait3A_41 = arith.constant 0 : i32
      %dma_wait3A_42 = tpu.memref_slice %arg11[%mul3A_0, %dma_wait3A_41] : memref<10240x128xf32, #tpu.memory_space<vmem_shared>> -> memref<640x128xf32, #tpu.memory_space<vmem_shared>>
      tpu.wait_dma2 semaphore(%run_scoped3A : memref<!tpu.dma_semaphore, #tpu.memory_space<semaphore_mem>>) src(%dma_wait3A_42 : memref<640x128xf32, #tpu.memory_space<vmem_shared>>) dst(%dma_wait3A_40 : memref<640x128xf32, #tpu.memory_space<hbm>>)
      tpu.yield
    }) : () -> ()
    return
  }
}

module attributes {stable_mosaic.version = 14 : i64} {
  func.func @_prep_body(%arg0: memref<10240x128xf32, #tpu.memory_space<vmem>>, %arg1: memref<2x2x10240xf32, #tpu.memory_space<vmem>>, %arg2: memref<10240x128xf32, #tpu.memory_space<vmem>>, %arg3: memref<10240xf32, #tpu.memory_space<vmem>>) attributes {dimension_semantics = [], scalar_prefetch = 0 : i64, scratch_operands = 0 : i64, tpu.core_type = #tpu.core_type<tc>} {
    %get3A = arith.constant 0 : index
    %get3A_0 = arith.constant 0 : index
    %get3A_1 = arith.constant 0 : index
    %get3A_2 = vector.load %arg1[%get3A, %get3A_0, %get3A_1] : memref<2x2x10240xf32, #tpu.memory_space<vmem>>, vector<1x1x10240xf32>
    %get3A_3 = vector.shape_cast %get3A_2 : vector<1x1x10240xf32> to vector<10240xf32>
    %get3A_4 = arith.constant 1 : index
    %get3A_5 = arith.constant 0 : index
    %get3A_6 = arith.constant 0 : index
    %get3A_7 = vector.load %arg1[%get3A_4, %get3A_5, %get3A_6] : memref<2x2x10240xf32, #tpu.memory_space<vmem>>, vector<1x1x10240xf32>
    %get3A_8 = vector.shape_cast %get3A_7 : vector<1x1x10240xf32> to vector<10240xf32>
    %add3A = arith.addf %get3A_3, %get3A_8 : vector<10240xf32>
    %get3A_9 = arith.constant 0 : index
    %get3A_10 = arith.constant 1 : index
    %get3A_11 = arith.constant 0 : index
    %get3A_12 = vector.load %arg1[%get3A_9, %get3A_10, %get3A_11] : memref<2x2x10240xf32, #tpu.memory_space<vmem>>, vector<1x1x10240xf32>
    %get3A_13 = vector.shape_cast %get3A_12 : vector<1x1x10240xf32> to vector<10240xf32>
    %get3A_14 = arith.constant 1 : index
    %get3A_15 = arith.constant 1 : index
    %get3A_16 = arith.constant 0 : index
    %get3A_17 = vector.load %arg1[%get3A_14, %get3A_15, %get3A_16] : memref<2x2x10240xf32, #tpu.memory_space<vmem>>, vector<1x1x10240xf32>
    %get3A_18 = vector.shape_cast %get3A_17 : vector<1x1x10240xf32> to vector<10240xf32>
    %add3A_19 = arith.addf %get3A_13, %get3A_18 : vector<10240xf32>
    %max3A = arith.constant 1.000000e+00 : f32
    %max3A_20 = vector.broadcast %max3A : f32 to vector<10240xf32>
    %max3A_21 = arith.maximumf %add3A, %max3A_20 : vector<10240xf32>
    %add3A_22 = arith.constant 1.000000e+00 : f32
    %add3A_23 = vector.broadcast %add3A_22 : f32 to vector<10240xf32>
    %add3A_24 = arith.addf %max3A_21, %add3A_23 : vector<10240xf32>
    %rsqrt3A = math.rsqrt %add3A_24 : vector<10240xf32>
    %max3A_25 = arith.constant 1.000000e+00 : f32
    %max3A_26 = vector.broadcast %max3A_25 : f32 to vector<10240xf32>
    %max3A_27 = arith.maximumf %add3A_19, %max3A_26 : vector<10240xf32>
    %add3A_28 = arith.constant 1.000000e+00 : f32
    %add3A_29 = vector.broadcast %add3A_28 : f32 to vector<10240xf32>
    %add3A_30 = arith.addf %max3A_27, %add3A_29 : vector<10240xf32>
    %rsqrt3A_31 = math.rsqrt %add3A_30 : vector<10240xf32>
    %swap3A = arith.constant 0 : index
    %swap3A_32 = vector.load %arg3[%swap3A] : memref<10240xf32, #tpu.memory_space<vmem>>, vector<10240xf32>
    tpu.vector_store %arg3[%swap3A], %rsqrt3A_31 {strides = array<i32>} : memref<10240xf32, #tpu.memory_space<vmem>>, vector<10240xf32>,
    %get3A_33 = arith.constant 0 : index
    %get3A_34 = arith.constant 0 : index
    %get3A_35 = vector.load %arg0[%get3A_33, %get3A_34] : memref<10240x128xf32, #tpu.memory_space<vmem>>, vector<10240x128xf32>
    %broadcast_in_dim3A = vector.shape_cast %rsqrt3A : vector<10240xf32> to vector<10240x1xf32>
    %mul3A = vector.broadcast %broadcast_in_dim3A : vector<10240x1xf32> to vector<10240x128xf32>
    %mul3A_36 = arith.mulf %get3A_35, %mul3A : vector<10240x128xf32>
    %swap3A_37 = arith.constant 0 : index
    %swap3A_38 = arith.constant 0 : index
    %swap3A_39 = vector.load %arg2[%swap3A_37, %swap3A_38] : memref<10240x128xf32, #tpu.memory_space<vmem>>, vector<10240x128xf32>
    tpu.vector_store %arg2[%swap3A_37, %swap3A_38], %mul3A_36 {strides = array<i32>} : memref<10240x128xf32, #tpu.memory_space<vmem>>, vector<10240x128xf32>,
    return
  }
}

module attributes {stable_mosaic.version = 14 : i64} {
  func.func @_final_body(%arg0: memref<10000x128xf32, #tpu.memory_space<vmem>>, %arg1: memref<2x10240x128xf32, #tpu.memory_space<vmem>>, %arg2: memref<10240xf32, #tpu.memory_space<vmem>>, %arg3: memref<10000x128xf32, #tpu.memory_space<vmem>>) attributes {dimension_semantics = [], scalar_prefetch = 0 : i64, scratch_operands = 0 : i64, tpu.core_type = #tpu.core_type<tc>} {
    %get3A = arith.constant 0 : index
    %get3A_0 = arith.constant 0 : index
    %get3A_1 = arith.constant 0 : index
    %get3A_2 = vector.load %arg1[%get3A, %get3A_0, %get3A_1] : memref<2x10240x128xf32, #tpu.memory_space<vmem>>, vector<1x10000x128xf32>
    %get3A_3 = vector.shape_cast %get3A_2 : vector<1x10000x128xf32> to vector<10000x128xf32>
    %get3A_4 = arith.constant 1 : index
    %get3A_5 = arith.constant 0 : index
    %get3A_6 = arith.constant 0 : index
    %get3A_7 = vector.load %arg1[%get3A_4, %get3A_5, %get3A_6] : memref<2x10240x128xf32, #tpu.memory_space<vmem>>, vector<1x10000x128xf32>
    %get3A_8 = vector.shape_cast %get3A_7 : vector<1x10000x128xf32> to vector<10000x128xf32>
    %add3A = arith.addf %get3A_3, %get3A_8 : vector<10000x128xf32>
    %get3A_9 = arith.constant 0 : index
    %get3A_10 = arith.constant 0 : index
    %get3A_11 = vector.load %arg0[%get3A_9, %get3A_10] : memref<10000x128xf32, #tpu.memory_space<vmem>>, vector<10000x128xf32>
    %add3A_12 = arith.addf %get3A_11, %add3A : vector<10000x128xf32>
    %get3A_13 = arith.constant 0 : index
    %get3A_14 = vector.load %arg2[%get3A_13] : memref<10240xf32, #tpu.memory_space<vmem>>, vector<10000xf32>
    %broadcast_in_dim3A = vector.shape_cast %get3A_14 : vector<10000xf32> to vector<10000x1xf32>
    %mul3A = vector.broadcast %broadcast_in_dim3A : vector<10000x1xf32> to vector<10000x128xf32>
    %mul3A_15 = arith.mulf %add3A_12, %mul3A : vector<10000x128xf32>
    %swap3A = arith.constant 0 : index
    %swap3A_16 = arith.constant 0 : index
    %swap3A_17 = vector.load %arg3[%swap3A, %swap3A_16] : memref<10000x128xf32, #tpu.memory_space<vmem>>, vector<10000x128xf32>
    tpu.vector_store %arg3[%swap3A, %swap3A_16], %mul3A_15 {strides = array<i32>} : memref<10000x128xf32, #tpu.memory_space<vmem>>, vector<10000x128xf32>,
    return
  }
}

</mosaic_0001>

<sc_bundles>
// kernel: kernel.6.cloned.1.call-start
scs
__scs_entry_jumppad:
0x0: {  	(pc) =	sbr.rel $0x88, $3  }
0x1: {  	(tag) =	ssettag $0x0;
	lr =	simm.s32 $0x1  }
0x2: {  	[smem:$0x3F9F] =	sst lr;
	_ =	strace $0xD0000000  }
0x3: {  	_ = 	snop  }
0x4: {  	_ = 	snop  }
0x5: {  	_ = 	snop  }
0x6: {  	_ = 	snop  }
0x7: {  	_ = 	snop  }
__scs_overlays_trampoline_lowered:
0x8: {  	[smem:$0x3FAE] =	sst s0  }
0x9: {  	[smem:$0x3FAF] =	sst s1  }
0xa: {  	[smem:$0x3FB0] =	sst s2  }
0xb: {  	[smem:$0x3FB1] =	sst s3  }
0xc: {  	[smem:$0x3FB2] =	sst s4  }
0xd: {  	[smem:$0x3FB3] =	sst s5  }
0xe: {  	[smem:$0x3FB4] =	sst s6  }
0xf: {  	[smem:$0x3FB5] =	sst s7  }
0x10: {  	[smem:$0x3FB6] =	sst s8  }
0x11: {  	[smem:$0x3FB7] =	sst s9;
	s0 =	simm.s32 @!p0 $0x0  }
0x12: {  	s1 =	sld [smem:$0x3F9D];
	s0 =	simm.s32 @p0 $0x1  }
0x13: {  	[smem:$0x3FB8] =	sst s0;
	s0 =	simm.s32 @!p1 $0x0  }
0x14: {  	s2 =	sld [smem:$0x3F9C];
	s0 =	simm.s32 @p1 $0x1  }
0x15: {  	[smem:$0x3FB9] =	sst s0;
	s0 =	simm.s32 @!p2 $0x0  }
0x16: {  	s3 =	sld [smem:$0x3FDB];
	s0 =	simm.s32 @p2 $0x1  }
0x17: {  	s4 =	simm.s32 $0x1BF5;
	[smem:$0x3FBB] =	sst s0  }
0x18: {  	s0 =	sld [smem:$0x3F9E];
	_ =	swait.ge [sflag:s4], $0x0  }
0x19: {  	s7 =	sld [smem:$0x3F9F]  }
0x1a: {  	s8 =	sadd.s32 $0xFFFFE003, lr  }
0x1b: {  	s9 =	sadd.s32 $0xFFFFFEF7, lr;
	s5 =	simm.s32 $0xFFFFFFFF;
	p2 =	slt.u32 s8, $0xFFFFF086  }
0x1c: {  	p1 =	slt.u32 s9, $0xF7A;
	s5 =	simm.s32 @!p2 $0x0  }
0x1d: {  	s5 =	simm.s32 @p1 $0x1;
	p0 =	seq.s32 s7, s2  }
0x1e: {  	s7 =	smul.u32 @!p0 $0xF7A, s2;
	p2 =	seq.s32 @!p0 s5, $0x0  }
0x1f: {  	s9 =	smul.u32 $0xF7A, s1;
	s8 =	simm.s32 @!p0 $0x1BF5;
	p2 =	por !p2, p0  }
0x20: {  	[sflag:s8] =	ssyncset.s32 @!p0 $0xFFFFF086;
	s6 =	sadd.s32 @!p0 s3, s7;
	s7 =	simm.s32 @!p0 $0x108  }
0x21: {  	s3 =	sadd.s32 s3, s9;
	s6 =	sadd.s32 @!p0 $0x88, s6;
	s7 =	simm.s32 @p2 $0x1082  }
0x22: {  	[simem:s7], [sflag:s8] =	dma.local @!p0 [hbm:s6], $0xF7A  }
0x23: {  	s9 =	sor.u32 $0xD0000000, s2;
	s6 =	simm.s32 $0x108;
	_ =	swait.ge @!p0 [sflag:s8], $0x0  }
0x24: {  	s3 =	sadd.s32 $0x88, s3;
	s6 =	simm.s32 @!p1 $0x1082;
	[sflag:s4] =	ssyncset.s32 $0xFFFFF086  }
0x25: {  	[simem:s6], [sflag:s4] =	dma.local [hbm:s3], $0xF7A  }
0x26: {  	[smem:$0x3F9F] =	sst s1;
	(tag) =	ssettag s2;
	_ =	strace s9  }
0x27: {  	s1 =	sld [smem:$0x3FAF]  }
0x28: {  	s2 =	sld [smem:$0x3FB0]  }
0x29: {  	s4 =	sld [smem:$0x3FB2]  }
0x2a: {  	p0 =	seq.s32 s5, $0x0;
	s5 =	sld [smem:$0x3FB3]  }
0x2b: {  	s6 =	sld [smem:$0x3FB4]  }
0x2c: {  	s7 =	sld [smem:$0x3FB5]  }
0x2d: {  	s3 =	simm.s32 $0x108;
	s8 =	sld [smem:$0x3FB6]  }
0x2e: {  	s3 =	simm.s32 @!p0 $0x1082;
	s9 =	sld [smem:$0x3FB7]  }
0x2f: {  	lr =	sadd.s32 s0, s3;
	s0 =	sld [smem:$0x3FAE]  }
0x30: {  	s3 =	sld [smem:$0x3FB1]  }
0x31: {  	[smem:$0x3FBA] =	sst s10  }
0x32: {  	s10 =	sld [smem:$0x3FB8];
	_ =	sdelay $0x3  }
0x33: {  	p0 =	seq.s32 s10, $0x1;
	s10 =	sld [smem:$0x3FBA];
	_ =	sdelay $0x3  }
0x34: {  	[smem:$0x3FBA] =	sst s10  }
0x35: {  	s10 =	sld [smem:$0x3FB9];
	_ =	sdelay $0x3  }
0x36: {  	p1 =	seq.s32 s10, $0x1;
	s10 =	sld [smem:$0x3FBA];
	_ =	sdelay $0x3  }
0x37: {  	[smem:$0x3FBA] =	sst s10  }
0x38: {  	s10 =	sld [smem:$0x3FBB]  }
0x39: {  	_ = 	snop;
	(pc) =	sbr.ind lr, $3  }
0x3a: {  	_ = 	snop  }
0x3b: {  	_ = 	snop  }
0x3c: {  	p2 =	seq.s32 s10, $0x1;
	s10 =	sld [smem:$0x3FBA]  }
0x3d: {  	_ =	shalt  }
0x3e: {  	_ =	shalt  }
0x3f: {  	_ =	shalt  }
0x40: {  	_ =	shalt  }
0x41: {  	_ =	shalt  }
0x42: {  	_ =	shalt  }
0x43: {  	_ =	shalt  }
0x44: {  	_ =	shalt  }
0x45: {  	_ =	shalt  }
0x46: {  	_ =	shalt  }
0x47: {  	_ =	shalt  }
0x48: {  	_ =	shalt  }
0x49: {  	_ =	shalt  }
0x4a: {  	_ =	shalt  }
0x4b: {  	_ =	shalt  }
0x4c: {  	_ =	shalt  }
0x4d: {  	_ =	shalt  }
0x4e: {  	_ =	shalt  }
0x4f: {  	_ =	shalt  }
0x50: {  	_ =	shalt  }
0x51: {  	_ =	shalt  }
0x52: {  	_ =	shalt  }
0x53: {  	_ =	shalt  }
0x54: {  	_ =	shalt  }
0x55: {  	_ =	shalt  }
0x56: {  	_ =	shalt  }
0x57: {  	_ =	shalt  }
0x58: {  	_ =	shalt  }
0x59: {  	_ =	shalt  }
0x5a: {  	_ =	shalt  }
0x5b: {  	_ =	shalt  }
0x5c: {  	_ =	shalt  }
0x5d: {  	_ =	shalt  }
0x5e: {  	_ =	shalt  }
0x5f: {  	_ =	shalt  }
0x60: {  	_ =	shalt  }
0x61: {  	_ =	shalt  }
0x62: {  	_ =	shalt  }
0x63: {  	_ =	shalt  }
0x64: {  	_ =	shalt  }
0x65: {  	_ =	shalt  }
0x66: {  	_ =	shalt  }
0x67: {  	_ =	shalt  }
0x68: {  	_ =	shalt  }
0x69: {  	_ =	shalt  }
0x6a: {  	_ =	shalt  }
0x6b: {  	_ =	shalt  }
0x6c: {  	_ =	shalt  }
0x6d: {  	_ =	shalt  }
0x6e: {  	_ =	shalt  }
0x6f: {  	_ =	shalt  }
0x70: {  	_ =	shalt  }
0x71: {  	_ =	shalt  }
0x72: {  	_ =	shalt  }
0x73: {  	_ =	shalt  }
0x74: {  	_ =	shalt  }
0x75: {  	_ =	shalt  }
0x76: {  	_ =	shalt  }
0x77: {  	_ =	shalt  }
0x78: {  	_ =	shalt  }
0x79: {  	_ =	shalt  }
0x7a: {  	_ =	shalt  }
0x7b: {  	_ =	shalt  }
0x7c: {  	_ =	shalt  }
0x7d: {  	_ =	shalt  }
0x7e: {  	_ =	shalt  }
0x7f: {  	_ =	shalt  }
0x80: {  	_ =	shalt  }
0x81: {  	_ =	shalt  }
0x82: {  	_ =	shalt  }
0x83: {  	_ =	shalt  }
0x84: {  	_ =	shalt  }
0x85: {  	_ =	shalt  }
0x86: {  	_ =	shalt  }
0x87: {  	_ =	shalt  }
.Lfunc_end0:
.L_simem_size_0:
called_computation_lowered:
.L_overlay_start_0:
0x88: {  	s2 =	sld [smem:$0x3FD9]  }
0x89: {  	s3 =	sld [smem:$0x3FFE];
	_ =	sdelay $0x1  }
0x8a: {  	s1 =	srdreg.scid  }
0x8b: {  	s0 =	sand.u32 $0x1, s1  }
0x8c: {  	s17 =	sshll.u32 s0, $0xA;
	s2 =	sadd.s32 s3, s2  }
0x8d: {  	s2 =	sadd.s32 s2, s17  }
0x8e: {  	[smem:$0x3FC6] =	sst s2  }
0x8f: {  	_ = 	snop  }
0x90: {  	s2 =	sld [smem:$0x3FD0];
	(tm) =	ssettm $0x1  }
0x91: {  	s18 =	sld [smem:$0x3FFB];
	_ =	sdelay $0x3  }
0x92: {  	_ =	strace s18  }
0x93: {  	s3 =	sld [smem:$0x3FFC];
	_ =	sdelay $0x3  }
0x94: {  	_ =	strace s3  }
0x95: {  	s3 =	sld [smem:$0x3FFD];
	_ =	sdelay $0x3  }
0x96: {  	_ =	strace s3  }
0x97: {  	_ =	strace $0x8FFFFFFF  }
0x98: {  	s19 =	sld [smem:$0x3FDB];
	_ =	sdelay $0x1  }
0x99: {  	s4 =	simm.s32 $_scs_section_size  }
0x9a: {  	s5 =	simm.s32 $_size__tile_overlayer_lowered;
	s6 =	simm.s32 $_tile_overlayer_lowered  }
0x9b: {  	s22 =	simm.s32 $0x1BFF;
	s21 =	sshll.u32 s6, $0x1;
	s3 =	sadd.s32 s4, s19  }
0x9c: {  	s7 =	simm.s32 $0x0;
	s20 =	sshll.u32 s5, $0x1;
	s5 =	sadd.s32 s21, s3  }
0x9d: {  	[timem:s7], [sflag:s22] =	dma.local [hbm:s5], s20  }
0x9e: {  	_ =	swait.ge [sflag:s22], s20  }
0x9f: {  	s4 =	ssub.s32 $0x0, s20;
	[sflag:s22] =	ssyncset.done $0x0  }
0xa0: {  	[sflag:s22] =	ssyncadd.s32 s4;
	_ =	sdelay $0x1  }
0xa1: {  	s23 =	simm.s32 $0x1B8B  }
0xa2: {  	_ =	swait.ge [sflag:s23], $0x1  }
0xa3: {  	[sflag:s23] =	ssyncset.done $0x0  }
0xa4: {  	s25 =	simm.s32 $0x1B8E;
	s24 =	sld [smem:$0x3FFE];
	[sflag:s23] =	ssyncadd.s32 $0xFFFFFFFF  }
0xa5: {  	s26 =	simm.s32 $execute0_lowered;
	[smem:$0x3FD2] =	sst s25  }
0xa6: {  	s5 =	sshll.u32 s26, $0x1;
	_ =	strace $0x80000046;
	[dreg:$0x1] =	wrdreg $0xFFFFFFFF  }
0xa7: {  	s28 =	simm.s32 $_size_execute0_lowered;
	s3 =	sadd.s32 s3, s5;
	[dreg:$0x0] =	wrdreg $0x0  }
0xa8: {  	s5 =	sshll.u32 s28, $0x1;
	[dreg:$0x2] =	wrdreg s3  }
0xa9: {  	[dreg:$0x3] =	wrdreg s5  }
0xaa: {  	[dreg:$0x4] =	wrdreg $0xC0  }
0xab: {  	_ =	task [dreg:s7], $0x5FFFF  }
0xac: {  	[dreg:$0x1] =	wrdreg $0xFFFFFFFF  }
0xad: {  	[dreg:$0x0] =	wrdreg $0x60  }
0xae: {  	[dreg:$0x2] =	wrdreg s2  }
0xaf: {  	[dreg:$0x3] =	wrdreg s24  }
0xb0: {  	[dreg:$0x4] =	wrdreg $0x53000  }
0xb1: {  	[dreg:$0x5] =	wrdreg $0x9  }
0xb2: {  	_ =	task.clear_ibuf [dreg:s7], $0x6FFFF;
	_ =	strace $0x90000046  }
0xb3: {  	s29 =	simm.s32 $0x9;
	_ =	strace $0x80000048  }
0xb4: {  	_ =	swait.ge [sflag:s29], $0x1  }
0xb5: {  	[sflag:s29] =	ssyncadd.s32 $0xFFFFFFFF  }
0xb6: {  	_ =	strace $0x90000048  }
0xb7: {  	_ =	sfence  }
0xb8: {  	s30 =	sld [smem:$0x0];
	_ =	sdelay $0x2  }
0xb9: {  	s31 =	sshll.u32 s1, $0xD;
	s1 =	sshrl.u32 s1, $0x2  }
0xba: {  	s3 =	sand.u32 $0x4000, s31;
	s1 =	sadd.s32 s1, s30  }
0xbb: {  	s0 =	sor.u32 s3, s0;
	s1 =	sshll.u32 s1, $0x11  }
0xbc: {  	s0 =	sor.u32 s1, s0  }
0xbd: {  	s0 =	sadd.s32 $0x8F2B, s0  }
0xbe: {  	[sflag:s0] =	ssyncadd.remote.s32 $0x1  }
0xbf: {  	_ =	sfence.sel $0xFFFF  }
0xc0: {  	[dreg:$0x0] =	wrdreg $0xFFFFFFFF;
	(pc) =	sbr.abs _section_cstart, $3  }
0xc1: {  	[dreg:$0x1] =	wrdreg $0xFFFFFFFF  }
0xc2: {  	_ =	task.clear_ibuf [dreg:s7], $0x2FFFF;
	_ =	strace $0x9FFFFFFF  }
0xc3: {  	(tm) =	ssettm $0x7FFFFFFF  }
tec
execute0_lowered:
.L_overlay_start_1:
0x0: {  	(tag) =	ssettag $0x1  }
0x1: {  	s6 =	rddreg [dreg:$0x0]  }
0x2: {  	s5 =	rddreg [dreg:$0x1]  }
0x3: {  	s0 =	srdreg.scid;
	s2 =	rddreg [dreg:$0x2]  }
0x4: {  	s1 =	rddreg [dreg:$0x3];
	s4 =	sand.u32 $0x1, s0  }
0x5: {  	s3 =	simm.s32 $0x0;
	s0 =	stileid.u32;
	s7 =	smul.u32 $0x500, s4  }
0x6: {  	s13 =	simm.s32 $0x2800;
	s14 =	simm.s32 $0x80;
	s8 =	smul.u32 $0x50, s0  }
0x7: {  	s15 =	simm.s32 $0x5000;
	s16 =	simm.s32 $0x1;
	s9 =	smul.u32 $0x5000, s4  }
0x8: {  	s19 =	simm.s32 $0x20;
	s20 =	simm.s32 $0x10;
	s28 =	smul.u32 $0x500, s0  }
0x9: {  	s22 =	simm.s32 $0x0;
	[smem:$0x7FF] =	sst s3;
	s10 =	smul.u32 $0xA00, s0  }
0xa: {  	_ =	strace $0x80000047;
	s29 =	ssub.s32 $0x2, s4;
	s17 =	sshll.u32 s0, $0x6  }
0xb: {  	s31 =	sshrl.u32 s29, $0x1;
	s17 =	sor.u32 $0x1C02, s17;
	s7 =	sadd.s32 s8, s7  }
0xc: {  	s8 =	sadd.s32 s28, s9;
	s30 =	sshrl.u32 s10, $0x2;
	s10 =	ssub.s32 s29, s31  }
0xd: {  	s7 =	sshll.u32 s7, $0x4;
	s8 =	sshrl.u32 s8, $0x3;
	s4 =	sadd.s32 s30, s2  }
0xe: {  	s10 =	smax.u32 s10, $0x1;
	s11 =	sadd.s32 s7, s5;
	s12 =	sadd.s32 s8, s5  }
0xf: {  	s5 =	sadd.s32 $0x2800, s4;
	s6 =	sadd.s32 s6, s7;
	s18 =	sshrl.u32 s4, $0x3  }
0x10: {  	s7 =	sadd.s32 $0x1200, s11;
	s8 =	sadd.s32 $0x15200, s12;
	s9 =	sadd.s32 $0x15210, s12  }
0x11: {  	v0 =	vimm.f32 $1.000000000e+00;
	v1 =	vimm.f32 $0.0e+00;
	s11 =	simm.s32 $0x5080;
	s12 =	simm.s32 $0x2;
	s21 =	sshrl.u32 s5, $0x3  }
.LBB2_1:
0x12: {  	[tilespmem:$0x5000] =	vst v0  }
0x13: {  	[tilespmem:$0x5010] =	vst v0  }
0x14: {  	[tilespmem:$0x5020] =	vst v0  }
0x15: {  	[tilespmem:$0x5030] =	vst v0  }
0x16: {  	[tilespmem:$0x5040] =	vst v0  }
0x17: {  	[tilespmem:$0x5050] =	vst v0  }
0x18: {  	[tilespmem:$0x5060] =	vst v0  }
0x19: {  	[tilespmem:$0x5070] =	vst v0  }
0x1a: {  	[tilespmem:$0x5080] =	vst v1  }
0x1b: {  	[tilespmem:$0x5090] =	vst v1  }
0x1c: {  	[tilespmem:$0x50A0] =	vst v1  }
0x1d: {  	[tilespmem:$0x50B0] =	vst v1  }
0x1e: {  	[tilespmem:$0x50C0] =	vst v1  }
0x1f: {  	[tilespmem:$0x50D0] =	vst v1  }
0x20: {  	[tilespmem:$0x50E0] =	vst v1  }
0x21: {  	[tilespmem:$0x50F0] =	vst v1  }
0x22: {  	[tilespmem:$0x5100] =	vst v1  }
0x23: {  	[tilespmem:$0x5110] =	vst v1  }
0x24: {  	[tilespmem:$0x5120] =	vst v1  }
0x25: {  	[tilespmem:$0x5130] =	vst v1  }
0x26: {  	[tilespmem:$0x5140] =	vst v1  }
0x27: {  	[tilespmem:$0x5150] =	vst v1  }
0x28: {  	[tilespmem:$0x5160] =	vst v1  }
0x29: {  	[tilespmem:$0x5170] =	vst v1  }
0x2a: {  	[tilespmem:$0x5180] =	vst v1  }
0x2b: {  	[tilespmem:$0x5190] =	vst v1  }
0x2c: {  	[tilespmem:$0x51A0] =	vst v1  }
0x2d: {  	[tilespmem:$0x51B0] =	vst v1  }
0x2e: {  	[tilespmem:$0x51C0] =	vst v1  }
0x2f: {  	[tilespmem:$0x51D0] =	vst v1  }
0x30: {  	[tilespmem:$0x51E0] =	vst v1  }
0x31: {  	[tilespmem:$0x51F0] =	vst v1  }
0x32: {  	[tilespmem:$0x5200] =	vst v1  }
0x33: {  	[tilespmem:$0x5210] =	vst v1  }
0x34: {  	[tilespmem:$0x5220] =	vst v1  }
0x35: {  	[tilespmem:$0x5230] =	vst v1  }
0x36: {  	[tilespmem:$0x5240] =	vst v1  }
0x37: {  	[tilespmem:$0x5250] =	vst v1  }
0x38: {  	[tilespmem:$0x5260] =	vst v1  }
0x39: {  	[tilespmem:$0x5270] =	vst v1  }
0x3a: {  	[tilespmem:$0x5280] =	vst v1  }
0x3b: {  	[tilespmem:$0x5290] =	vst v1  }
0x3c: {  	[tilespmem:$0x52A0] =	vst v1  }
0x3d: {  	[tilespmem:$0x52B0] =	vst v1  }
0x3e: {  	[tilespmem:$0x52C0] =	vst v1  }
0x3f: {  	[tilespmem:$0x52D0] =	vst v1  }
0x40: {  	[tilespmem:$0x52E0] =	vst v1  }
0x41: {  	[tilespmem:$0x52F0] =	vst v1  }
0x42: {  	[spmem:s4] =	stream.linear.scatter [tilespmem:s11], [sflag:$0x2], $0x280, $0x38;
	[tilespmem:$0x5800] =	vst v63  }
0x43: {  	_ =	swait.ge [sflag:s12], $0x280  }
0x44: {  	[sflag:s12] =	ssyncset.done $0x0  }
0x45: {  	[sflag:s12] =	ssyncadd.s32 $0xFFFFFD80  }
0x46: {  	[spmem:s5] =	stream.linear.scatter [tilespmem:s11], [sflag:$0x2], $0x280, $0x38;
	[tilespmem:$0x5800] =	vst v63  }
0x47: {  	_ =	swait.ge [sflag:s12], $0x280  }
0x48: {  	[sflag:s12] =	ssyncset.done $0x0  }
0x49: {  	[sflag:s12] =	ssyncadd.s32 $0xFFFFFD80  }
0x4a: {  	[bflag:$0x0] =	sbarrier.arrive $0xFFFF  }
0x4b: {  	[tilespmem:s3], [sflag:$0x2] =	stream.linear.gather [hbm4b:s6+s3], $0x2800, $0x38;
	[tilespmem:$0x5800] =	vst v63  }
0x4c: {  	_ =	swait.ge [sflag:s12], $0x2800  }
0x4d: {  	[sflag:s12] =	ssyncset.done $0x0  }
0x4e: {  	[sflag:s12] =	ssyncadd.s32 $0xFFFFD800  }
0x4f: {  	[tilespmem:s13], [sflag:$0x2] =	stream.linear.gather [hbm4b:s7+s3], $0x2800, $0x38;
	[tilespmem:$0x5800] =	vst v63  }
0x50: {  	_ =	swait.ge [sflag:s12], $0x2800  }
0x51: {  	[sflag:s12] =	ssyncset.done $0x0  }
0x52: {  	s23 =	simm.s32 $0x0;
	[sflag:s12] =	ssyncadd.s32 $0xFFFFD800  }
0x53: {  	[spmem:s2] =	stream.indirect.scatter.add.f32 [tilespmem:s15], [sflag:$0x1], $0x1, s23, s14, $0xb8;
	[tilespmem:$0x5800] =	vst v63  }
0x54: {  	s24 =	simm.s32 $0x80  }
0x55: {  	[spmem:s2] =	stream.indirect.scatter.add.f32 [tilespmem:s15], [sflag:$0x1], $0x1, s24, s14, $0xb8;
	[tilespmem:$0x5800] =	vst v63  }
0x56: {  	s25 =	simm.s32 $0x100  }
0x57: {  	[spmem:s2] =	stream.indirect.scatter.add.f32 [tilespmem:s15], [sflag:$0x1], $0x1, s25, s14, $0xb8;
	[tilespmem:$0x5800] =	vst v63  }
0x58: {  	s26 =	simm.s32 $0x180  }
0x59: {  	[spmem:s2] =	stream.indirect.scatter.add.f32 [tilespmem:s15], [sflag:$0x1], $0x1, s26, s14, $0xb8;
	[tilespmem:$0x5800] =	vst v63  }
0x5a: {  	s28 =	simm.s32 $0x200  }
0x5b: {  	[spmem:s2] =	stream.indirect.scatter.add.f32 [tilespmem:s15], [sflag:$0x1], $0x1, s28, s14, $0xb8;
	[tilespmem:$0x5800] =	vst v63  }
0x5c: {  	s29 =	simm.s32 $0x280  }
0x5d: {  	[spmem:s2] =	stream.indirect.scatter.add.f32 [tilespmem:s15], [sflag:$0x1], $0x1, s29, s14, $0xb8;
	[tilespmem:$0x5800] =	vst v63  }
0x5e: {  	s30 =	simm.s32 $0x300  }
0x5f: {  	[spmem:s2] =	stream.indirect.scatter.add.f32 [tilespmem:s15], [sflag:$0x1], $0x1, s30, s14, $0xb8;
	[tilespmem:$0x5800] =	vst v63  }
0x60: {  	s31 =	simm.s32 $0x380  }
0x61: {  	[spmem:s2] =	stream.indirect.scatter.add.f32 [tilespmem:s15], [sflag:$0x1], $0x1, s31, s14, $0xb8;
	[tilespmem:$0x5800] =	vst v63  }
0x62: {  	_ =	swait.ge [sflag:s16], $0x80  }
0x63: {  	[sflag:s16] =	ssyncset.done $0x0  }
0x64: {  	[sflag:s16] =	ssyncadd.s32 $0xFFFFFF80  }
0x65: {  	_ =	swait.ge [sflag:s16], $0x80  }
0x66: {  	[sflag:s16] =	ssyncset.done $0x0  }
0x67: {  	[sflag:s16] =	ssyncadd.s32 $0xFFFFFF80  }
0x68: {  	_ =	swait.ge [sflag:s16], $0x80  }
0x69: {  	[sflag:s16] =	ssyncset.done $0x0  }
0x6a: {  	[sflag:s16] =	ssyncadd.s32 $0xFFFFFF80  }
0x6b: {  	_ =	swait.ge [sflag:s16], $0x80  }
0x6c: {  	[sflag:s16] =	ssyncset.done $0x0  }
0x6d: {  	[sflag:s16] =	ssyncadd.s32 $0xFFFFFF80  }
0x6e: {  	_ =	swait.ge [sflag:s16], $0x80  }
0x6f: {  	[sflag:s16] =	ssyncset.done $0x0  }
0x70: {  	[sflag:s16] =	ssyncadd.s32 $0xFFFFFF80  }
0x71: {  	_ =	swait.ge [sflag:s16], $0x80  }
0x72: {  	[sflag:s16] =	ssyncset.done $0x0  }
0x73: {  	[sflag:s16] =	ssyncadd.s32 $0xFFFFFF80  }
0x74: {  	_ =	swait.ge [sflag:s16], $0x80  }
0x75: {  	[sflag:s16] =	ssyncset.done $0x0  }
0x76: {  	[sflag:s16] =	ssyncadd.s32 $0xFFFFFF80  }
0x77: {  	_ =	swait.ge [sflag:s16], $0x80  }
0x78: {  	s23 =	simm.s32 $0x1000;
	s25 =	simm.s32 $0x2000;
	[sflag:s16] =	ssyncset.done $0x0  }
.LBB2_2:
0x79: {  	s26 =	sshra.s32 s23, $0x2  }
0x7a: {  	[sflag:s16] =	ssyncadd.s32 $0xFFFFFF80;
	s23 =	smov.u32 s25;
	s24 =	sadd.s32 $0x1000, s25  }
0x7b: {  	[spmem:s2] =	stream.indirect.scatter.add.f32 [tilespmem:s15], [sflag:$0x1], $0x1, s26, s14, $0xb8;
	[tilespmem:$0x5800] =	vst v63  }
0x7c: {  	p0 =	sne.s32 s25, $0x13000;
	s25 =	sadd.s32 $0x80, s26  }
0x7d: {  	[spmem:s2] =	stream.indirect.scatter.add.f32 [tilespmem:s15], [sflag:$0x1], $0x1, s25, s14, $0xb8;
	[tilespmem:$0x5800] =	vst v63  }
0x7e: {  	s25 =	sadd.s32 $0x100, s26  }
0x7f: {  	[spmem:s2] =	stream.indirect.scatter.add.f32 [tilespmem:s15], [sflag:$0x1], $0x1, s25, s14, $0xb8;
	[tilespmem:$0x5800] =	vst v63  }
0x80: {  	s25 =	sadd.s32 $0x180, s26  }
0x81: {  	[spmem:s2] =	stream.indirect.scatter.add.f32 [tilespmem:s15], [sflag:$0x1], $0x1, s25, s14, $0xb8;
	[tilespmem:$0x5800] =	vst v63  }
0x82: {  	s25 =	sadd.s32 $0x200, s26  }
0x83: {  	[spmem:s2] =	stream.indirect.scatter.add.f32 [tilespmem:s15], [sflag:$0x1], $0x1, s25, s14, $0xb8;
	[tilespmem:$0x5800] =	vst v63  }
0x84: {  	s25 =	sadd.s32 $0x280, s26  }
0x85: {  	[spmem:s2] =	stream.indirect.scatter.add.f32 [tilespmem:s15], [sflag:$0x1], $0x1, s25, s14, $0xb8;
	[tilespmem:$0x5800] =	vst v63  }
0x86: {  	s25 =	sadd.s32 $0x300, s26  }
0x87: {  	[spmem:s2] =	stream.indirect.scatter.add.f32 [tilespmem:s15], [sflag:$0x1], $0x1, s25, s14, $0xb8;
	[tilespmem:$0x5800] =	vst v63  }
0x88: {  	s25 =	sadd.s32 $0x380, s26  }
0x89: {  	[spmem:s2] =	stream.indirect.scatter.add.f32 [tilespmem:s15], [sflag:$0x1], $0x1, s25, s14, $0xb8;
	[tilespmem:$0x5800] =	vst v63  }
0x8a: {  	_ =	swait.ge [sflag:s16], $0x80  }
0x8b: {  	[sflag:s16] =	ssyncset.done $0x0  }
0x8c: {  	[sflag:s16] =	ssyncadd.s32 $0xFFFFFF80  }
0x8d: {  	_ =	swait.ge [sflag:s16], $0x80  }
0x8e: {  	[sflag:s16] =	ssyncset.done $0x0  }
0x8f: {  	[sflag:s16] =	ssyncadd.s32 $0xFFFFFF80  }
0x90: {  	_ =	swait.ge [sflag:s16], $0x80  }
0x91: {  	[sflag:s16] =	ssyncset.done $0x0  }
0x92: {  	[sflag:s16] =	ssyncadd.s32 $0xFFFFFF80  }
0x93: {  	_ =	swait.ge [sflag:s16], $0x80  }
0x94: {  	[sflag:s16] =	ssyncset.done $0x0  }
0x95: {  	[sflag:s16] =	ssyncadd.s32 $0xFFFFFF80  }
0x96: {  	_ =	swait.ge [sflag:s16], $0x80  }
0x97: {  	[sflag:s16] =	ssyncset.done $0x0  }
0x98: {  	[sflag:s16] =	ssyncadd.s32 $0xFFFFFF80  }
0x99: {  	_ =	swait.ge [sflag:s16], $0x80  }
0x9a: {  	[sflag:s16] =	ssyncset.done $0x0  }
0x9b: {  	[sflag:s16] =	ssyncadd.s32 $0xFFFFFF80  }
.Ltmp0:
0x9c: {  	_ =	swait.ge [sflag:s16], $0x80;
	(pc) =	sbr.rel @p0 .LBB2_2-.Ltmp0, $4  }
0x9d: {  	[sflag:s16] =	ssyncset.done $0x0  }
0x9e: {  	[sflag:s16] =	ssyncadd.s32 $0xFFFFFF80  }
0x9f: {  	_ =	swait.ge [sflag:s16], $0x80  }
0xa0: {  	s25 =	smov.u32 s24;
	[sflag:s16] =	ssyncset.done $0x0  }
0xa1: {  	s23 =	sshra.s32 s23, $0x2;
	[sflag:s16] =	ssyncadd.s32 $0xFFFFFF80  }
0xa2: {  	[spmem:s2] =	stream.indirect.scatter.add.f32 [tilespmem:s15], [sflag:$0x1], $0x1, s23, s14, $0xb8;
	[tilespmem:$0x5800] =	vst v63  }
0xa3: {  	s24 =	sadd.s32 $0x80, s23  }
0xa4: {  	[spmem:s2] =	stream.indirect.scatter.add.f32 [tilespmem:s15], [sflag:$0x1], $0x1, s24, s14, $0xb8;
	[tilespmem:$0x5800] =	vst v63  }
0xa5: {  	s26 =	sadd.s32 $0x100, s23  }
0xa6: {  	[spmem:s2] =	stream.indirect.scatter.add.f32 [tilespmem:s15], [sflag:$0x1], $0x1, s26, s14, $0xb8;
	[tilespmem:$0x5800] =	vst v63  }
0xa7: {  	s28 =	sadd.s32 $0x180, s23  }
0xa8: {  	[spmem:s2] =	stream.indirect.scatter.add.f32 [tilespmem:s15], [sflag:$0x1], $0x1, s28, s14, $0xb8;
	[tilespmem:$0x5800] =	vst v63  }
0xa9: {  	s29 =	sadd.s32 $0x200, s23  }
0xaa: {  	[spmem:s2] =	stream.indirect.scatter.add.f32 [tilespmem:s15], [sflag:$0x1], $0x1, s29, s14, $0xb8;
	[tilespmem:$0x5800] =	vst v63  }
0xab: {  	s30 =	sadd.s32 $0x280, s23  }
0xac: {  	[spmem:s2] =	stream.indirect.scatter.add.f32 [tilespmem:s15], [sflag:$0x1], $0x1, s30, s14, $0xb8;
	[tilespmem:$0x5800] =	vst v63  }
0xad: {  	s31 =	sadd.s32 $0x300, s23  }
0xae: {  	[spmem:s2] =	stream.indirect.scatter.add.f32 [tilespmem:s15], [sflag:$0x1], $0x1, s31, s14, $0xb8;
	[tilespmem:$0x5800] =	vst v63  }
0xaf: {  	s23 =	sadd.s32 $0x380, s23  }
0xb0: {  	[spmem:s2] =	stream.indirect.scatter.add.f32 [tilespmem:s15], [sflag:$0x1], $0x1, s23, s14, $0xb8;
	[tilespmem:$0x5800] =	vst v63  }
0xb1: {  	_ =	swait.ge [sflag:s16], $0x80  }
0xb2: {  	[sflag:s16] =	ssyncset.done $0x0  }
0xb3: {  	[sflag:s16] =	ssyncadd.s32 $0xFFFFFF80  }
0xb4: {  	_ =	swait.ge [sflag:s16], $0x80  }
0xb5: {  	[sflag:s16] =	ssyncset.done $0x0  }
0xb6: {  	[sflag:s16] =	ssyncadd.s32 $0xFFFFFF80  }
0xb7: {  	_ =	swait.ge [sflag:s16], $0x80  }
0xb8: {  	[sflag:s16] =	ssyncset.done $0x0  }
0xb9: {  	[sflag:s16] =	ssyncadd.s32 $0xFFFFFF80  }
0xba: {  	_ =	swait.ge [sflag:s16], $0x80  }
0xbb: {  	[sflag:s16] =	ssyncset.done $0x0  }
0xbc: {  	[sflag:s16] =	ssyncadd.s32 $0xFFFFFF80  }
0xbd: {  	_ =	swait.ge [sflag:s16], $0x80  }
0xbe: {  	[sflag:s16] =	ssyncset.done $0x0  }
0xbf: {  	[sflag:s16] =	ssyncadd.s32 $0xFFFFFF80  }
0xc0: {  	_ =	swait.ge [sflag:s16], $0x80  }
0xc1: {  	[sflag:s16] =	ssyncset.done $0x0  }
0xc2: {  	[sflag:s16] =	ssyncadd.s32 $0xFFFFFF80  }
0xc3: {  	_ =	swait.ge [sflag:s16], $0x80  }
0xc4: {  	[sflag:s16] =	ssyncset.done $0x0  }
0xc5: {  	[sflag:s16] =	ssyncadd.s32 $0xFFFFFF80  }
0xc6: {  	_ =	swait.ge [sflag:s16], $0x80  }
0xc7: {  	[sflag:s16] =	ssyncset.done $0x0  }
0xc8: {  	[sflag:s16] =	ssyncadd.s32 $0xFFFFFF80  }
0xc9: {  	[bflag:$0x0] =	sbarrier.arrive $0xFFFF  }
0xca: {  	[hbm:s8@s19], [sflag:s17] =	dma.strided [spmem:s18@s20], $0x50, s16, $0x10   }
0xcb: {  	s22 =	sadd.s32 $0x1, s22;
	_ =	swait.ge [sflag:s12], $0x50  }
0xcc: {  	p0 =	sne.s32 s22, s10;
	[sflag:s12] =	ssyncset.done $0x0  }
.Ltmp1:
0xcd: {  	[sflag:s12] =	ssyncadd.s32 $0xFFFFFFB0;
	(pc) =	sbr.rel @p0 .LBB2_1-.Ltmp1, $4  }
0xce: {  	[hbm:s9@s19], [sflag:s17] =	dma.strided [spmem:s21@s20], $0x50, s16, $0x10   }
0xcf: {  	_ =	swait.ge [sflag:s12], $0x50  }
0xd0: {  	[sflag:s12] =	ssyncset.done $0x0  }
0xd1: {  	[sflag:s12] =	ssyncadd.s32 $0xFFFFFFB0  }
0xd2: {  	_ =	sfence.sel $0x180000  }
0xd3: {  	[bflag:$0x0] =	sbarrier.arrive $0xFFFF  }
0xd4: {  	p0 =	sne.s32 s0, $0x0;
	_ =	strace $0x90000047  }
0xd5: {  	s0 =	sadd.s32 @!p0 $0x100000, s1;
	[bflag:$0x2] =	sbarrier.arrive $0xFFFF  }
0xd6: {  	[sflag:s0] =	ssyncadd.tile.s32 @!p0 $0x1;
	_ =	shalt  }
.Lfunc_end2:
_tile_overlayer_lowered:
.L_overlay_start_2:
0xd7: {  	(tag) =	ssettag $0x2  }
0xd8: {  	s0 =	rddreg [dreg:$0x0];
	s2 =	stileid.u32  }
0xd9: {  	s1 =	rddreg [dreg:$0x1];
	p0 =	sne.s32 s2, $0x0  }
0xda: {  	s3 =	rddreg [dreg:$0x2];
	[bflag:$0x3] =	sbarrier.arrive $0xFFFF;
	s2 =	simm.s32 @!p0 $0x1C02  }
0xdb: {  	[timem:s3], [sflag:s2] =	dma.local @!p0 [hbm:s0], s1  }
0xdc: {  	s0 =	simm.s32 @!p0 $0x2  }
0xdd: {  	_ =	swait.ge @!p0 [sflag:s0], s1  }
0xde: {  	s1 =	ssub.s32 @!p0 $0x0, s1;
	[sflag:s0] =	ssyncset.done @!p0 $0x0  }
0xdf: {  	[sflag:s0] =	ssyncadd.s32 @!p0 s1  }
0xe0: {  	[bflag:$0x3] =	sbarrier.arrive $0xFFFF  }
0xe1: {  	_ =	shalt  }

// kernel: kernel.9.cloned.1.call-start
scs
__scs_entry_jumppad:
0x0: {  	(pc) =	sbr.rel $0x88, $3  }
0x1: {  	(tag) =	ssettag $0x0;
	lr =	simm.s32 $0x1  }
0x2: {  	[smem:$0x3F9F] =	sst lr;
	_ =	strace $0xD0000000  }
0x3: {  	_ = 	snop  }
0x4: {  	_ = 	snop  }
0x5: {  	_ = 	snop  }
0x6: {  	_ = 	snop  }
0x7: {  	_ = 	snop  }
__scs_overlays_trampoline_lowered:
0x8: {  	[smem:$0x3FAE] =	sst s0  }
0x9: {  	[smem:$0x3FAF] =	sst s1  }
0xa: {  	[smem:$0x3FB0] =	sst s2  }
0xb: {  	[smem:$0x3FB1] =	sst s3  }
0xc: {  	[smem:$0x3FB2] =	sst s4  }
0xd: {  	[smem:$0x3FB3] =	sst s5  }
0xe: {  	[smem:$0x3FB4] =	sst s6  }
0xf: {  	[smem:$0x3FB5] =	sst s7  }
0x10: {  	[smem:$0x3FB6] =	sst s8  }
0x11: {  	[smem:$0x3FB7] =	sst s9;
	s0 =	simm.s32 @!p0 $0x0  }
0x12: {  	s1 =	sld [smem:$0x3F9D];
	s0 =	simm.s32 @p0 $0x1  }
0x13: {  	[smem:$0x3FB8] =	sst s0;
	s0 =	simm.s32 @!p1 $0x0  }
0x14: {  	s2 =	sld [smem:$0x3F9C];
	s0 =	simm.s32 @p1 $0x1  }
0x15: {  	[smem:$0x3FB9] =	sst s0;
	s0 =	simm.s32 @!p2 $0x0  }
0x16: {  	s3 =	sld [smem:$0x3FDB];
	s0 =	simm.s32 @p2 $0x1  }
0x17: {  	s4 =	simm.s32 $0x1BF5;
	[smem:$0x3FBB] =	sst s0  }
0x18: {  	s0 =	sld [smem:$0x3F9E];
	_ =	swait.ge [sflag:s4], $0x0  }
0x19: {  	s7 =	sld [smem:$0x3F9F]  }
0x1a: {  	s8 =	sadd.s32 $0xFFFFE003, lr  }
0x1b: {  	s9 =	sadd.s32 $0xFFFFFEF7, lr;
	s5 =	simm.s32 $0xFFFFFFFF;
	p2 =	slt.u32 s8, $0xFFFFF086  }
0x1c: {  	p1 =	slt.u32 s9, $0xF7A;
	s5 =	simm.s32 @!p2 $0x0  }
0x1d: {  	s5 =	simm.s32 @p1 $0x1;
	p0 =	seq.s32 s7, s2  }
0x1e: {  	s7 =	smul.u32 @!p0 $0xF7A, s2;
	p2 =	seq.s32 @!p0 s5, $0x0  }
0x1f: {  	s9 =	smul.u32 $0xF7A, s1;
	s8 =	simm.s32 @!p0 $0x1BF5;
	p2 =	por !p2, p0  }
0x20: {  	[sflag:s8] =	ssyncset.s32 @!p0 $0xFFFFF086;
	s6 =	sadd.s32 @!p0 s3, s7;
	s7 =	simm.s32 @!p0 $0x108  }
0x21: {  	s3 =	sadd.s32 s3, s9;
	s6 =	sadd.s32 @!p0 $0x88, s6;
	s7 =	simm.s32 @p2 $0x1082  }
0x22: {  	[simem:s7], [sflag:s8] =	dma.local @!p0 [hbm:s6], $0xF7A  }
0x23: {  	s9 =	sor.u32 $0xD0000000, s2;
	s6 =	simm.s32 $0x108;
	_ =	swait.ge @!p0 [sflag:s8], $0x0  }
0x24: {  	s3 =	sadd.s32 $0x88, s3;
	s6 =	simm.s32 @!p1 $0x1082;
	[sflag:s4] =	ssyncset.s32 $0xFFFFF086  }
0x25: {  	[simem:s6], [sflag:s4] =	dma.local [hbm:s3], $0xF7A  }
0x26: {  	[smem:$0x3F9F] =	sst s1;
	(tag) =	ssettag s2;
	_ =	strace s9  }
0x27: {  	s1 =	sld [smem:$0x3FAF]  }
0x28: {  	s2 =	sld [smem:$0x3FB0]  }
0x29: {  	s4 =	sld [smem:$0x3FB2]  }
0x2a: {  	p0 =	seq.s32 s5, $0x0;
	s5 =	sld [smem:$0x3FB3]  }
0x2b: {  	s6 =	sld [smem:$0x3FB4]  }
0x2c: {  	s7 =	sld [smem:$0x3FB5]  }
0x2d: {  	s3 =	simm.s32 $0x108;
	s8 =	sld [smem:$0x3FB6]  }
0x2e: {  	s3 =	simm.s32 @!p0 $0x1082;
	s9 =	sld [smem:$0x3FB7]  }
0x2f: {  	lr =	sadd.s32 s0, s3;
	s0 =	sld [smem:$0x3FAE]  }
0x30: {  	s3 =	sld [smem:$0x3FB1]  }
0x31: {  	[smem:$0x3FBA] =	sst s10  }
0x32: {  	s10 =	sld [smem:$0x3FB8];
	_ =	sdelay $0x3  }
0x33: {  	p0 =	seq.s32 s10, $0x1;
	s10 =	sld [smem:$0x3FBA];
	_ =	sdelay $0x3  }
0x34: {  	[smem:$0x3FBA] =	sst s10  }
0x35: {  	s10 =	sld [smem:$0x3FB9];
	_ =	sdelay $0x3  }
0x36: {  	p1 =	seq.s32 s10, $0x1;
	s10 =	sld [smem:$0x3FBA];
	_ =	sdelay $0x3  }
0x37: {  	[smem:$0x3FBA] =	sst s10  }
0x38: {  	s10 =	sld [smem:$0x3FBB]  }
0x39: {  	_ = 	snop;
	(pc) =	sbr.ind lr, $3  }
0x3a: {  	_ = 	snop  }
0x3b: {  	_ = 	snop  }
0x3c: {  	p2 =	seq.s32 s10, $0x1;
	s10 =	sld [smem:$0x3FBA]  }
0x3d: {  	_ =	shalt  }
0x3e: {  	_ =	shalt  }
0x3f: {  	_ =	shalt  }
0x40: {  	_ =	shalt  }
0x41: {  	_ =	shalt  }
0x42: {  	_ =	shalt  }
0x43: {  	_ =	shalt  }
0x44: {  	_ =	shalt  }
0x45: {  	_ =	shalt  }
0x46: {  	_ =	shalt  }
0x47: {  	_ =	shalt  }
0x48: {  	_ =	shalt  }
0x49: {  	_ =	shalt  }
0x4a: {  	_ =	shalt  }
0x4b: {  	_ =	shalt  }
0x4c: {  	_ =	shalt  }
0x4d: {  	_ =	shalt  }
0x4e: {  	_ =	shalt  }
0x4f: {  	_ =	shalt  }
0x50: {  	_ =	shalt  }
0x51: {  	_ =	shalt  }
0x52: {  	_ =	shalt  }
0x53: {  	_ =	shalt  }
0x54: {  	_ =	shalt  }
0x55: {  	_ =	shalt  }
0x56: {  	_ =	shalt  }
0x57: {  	_ =	shalt  }
0x58: {  	_ =	shalt  }
0x59: {  	_ =	shalt  }
0x5a: {  	_ =	shalt  }
0x5b: {  	_ =	shalt  }
0x5c: {  	_ =	shalt  }
0x5d: {  	_ =	shalt  }
0x5e: {  	_ =	shalt  }
0x5f: {  	_ =	shalt  }
0x60: {  	_ =	shalt  }
0x61: {  	_ =	shalt  }
0x62: {  	_ =	shalt  }
0x63: {  	_ =	shalt  }
0x64: {  	_ =	shalt  }
0x65: {  	_ =	shalt  }
0x66: {  	_ =	shalt  }
0x67: {  	_ =	shalt  }
0x68: {  	_ =	shalt  }
0x69: {  	_ =	shalt  }
0x6a: {  	_ =	shalt  }
0x6b: {  	_ =	shalt  }
0x6c: {  	_ =	shalt  }
0x6d: {  	_ =	shalt  }
0x6e: {  	_ =	shalt  }
0x6f: {  	_ =	shalt  }
0x70: {  	_ =	shalt  }
0x71: {  	_ =	shalt  }
0x72: {  	_ =	shalt  }
0x73: {  	_ =	shalt  }
0x74: {  	_ =	shalt  }
0x75: {  	_ =	shalt  }
0x76: {  	_ =	shalt  }
0x77: {  	_ =	shalt  }
0x78: {  	_ =	shalt  }
0x79: {  	_ =	shalt  }
0x7a: {  	_ =	shalt  }
0x7b: {  	_ =	shalt  }
0x7c: {  	_ =	shalt  }
0x7d: {  	_ =	shalt  }
0x7e: {  	_ =	shalt  }
0x7f: {  	_ =	shalt  }
0x80: {  	_ =	shalt  }
0x81: {  	_ =	shalt  }
0x82: {  	_ =	shalt  }
0x83: {  	_ =	shalt  }
0x84: {  	_ =	shalt  }
0x85: {  	_ =	shalt  }
0x86: {  	_ =	shalt  }
0x87: {  	_ =	shalt  }
.Lfunc_end0:
.L_simem_size_0:
called_computation.1_lowered:
.L_overlay_start_0:
0x88: {  	s2 =	sld [smem:$0x3FD9]  }
0x89: {  	s3 =	sld [smem:$0x3FFE];
	_ =	sdelay $0x1  }
0x8a: {  	s1 =	srdreg.scid  }
0x8b: {  	s0 =	sand.u32 $0x1, s1  }
0x8c: {  	s17 =	sshll.u32 s0, $0xA;
	s2 =	sadd.s32 s3, s2  }
0x8d: {  	s2 =	sadd.s32 s2, s17  }
0x8e: {  	[smem:$0x3FC6] =	sst s2  }
0x8f: {  	_ = 	snop  }
0x90: {  	s2 =	sld [smem:$0x3FD0];
	(tm) =	ssettm $0x1  }
0x91: {  	s18 =	sld [smem:$0x3FFB];
	_ =	sdelay $0x3  }
0x92: {  	_ =	strace s18  }
0x93: {  	s3 =	sld [smem:$0x3FFC];
	_ =	sdelay $0x3  }
0x94: {  	_ =	strace s3  }
0x95: {  	s3 =	sld [smem:$0x3FFD];
	_ =	sdelay $0x3  }
0x96: {  	_ =	strace s3  }
0x97: {  	_ =	strace $0x8FFFFFFF  }
0x98: {  	s19 =	sld [smem:$0x3FDB];
	_ =	sdelay $0x1  }
0x99: {  	s4 =	simm.s32 $_scs_section_size  }
0x9a: {  	s5 =	simm.s32 $_size__tile_overlayer_lowered;
	s6 =	simm.s32 $_tile_overlayer_lowered  }
0x9b: {  	s22 =	simm.s32 $0x1BFF;
	s21 =	sshll.u32 s6, $0x1;
	s3 =	sadd.s32 s4, s19  }
0x9c: {  	s7 =	simm.s32 $0x0;
	s20 =	sshll.u32 s5, $0x1;
	s5 =	sadd.s32 s21, s3  }
0x9d: {  	[timem:s7], [sflag:s22] =	dma.local [hbm:s5], s20  }
0x9e: {  	_ =	swait.ge [sflag:s22], s20  }
0x9f: {  	s4 =	ssub.s32 $0x0, s20;
	[sflag:s22] =	ssyncset.done $0x0  }
0xa0: {  	[sflag:s22] =	ssyncadd.s32 s4;
	_ =	sdelay $0x1  }
0xa1: {  	s23 =	simm.s32 $0x1B8B  }
0xa2: {  	_ =	swait.ge [sflag:s23], $0x1  }
0xa3: {  	[sflag:s23] =	ssyncset.done $0x0  }
0xa4: {  	s25 =	simm.s32 $0x1B8E;
	s24 =	sld [smem:$0x3FFE];
	[sflag:s23] =	ssyncadd.s32 $0xFFFFFFFF  }
0xa5: {  	s26 =	simm.s32 $execute0_lowered;
	[smem:$0x3FD2] =	sst s25  }
0xa6: {  	s5 =	sshll.u32 s26, $0x1;
	_ =	strace $0x80000049;
	[dreg:$0x1] =	wrdreg $0xFFFFFFFF  }
0xa7: {  	s28 =	simm.s32 $_size_execute0_lowered;
	s3 =	sadd.s32 s3, s5;
	[dreg:$0x0] =	wrdreg $0x0  }
0xa8: {  	s5 =	sshll.u32 s28, $0x1;
	[dreg:$0x2] =	wrdreg s3  }
0xa9: {  	[dreg:$0x3] =	wrdreg s5  }
0xaa: {  	[dreg:$0x4] =	wrdreg $0xC0  }
0xab: {  	_ =	task [dreg:s7], $0x5FFFF  }
0xac: {  	[dreg:$0x1] =	wrdreg $0xFFFFFFFF  }
0xad: {  	[dreg:$0x0] =	wrdreg $0x60  }
0xae: {  	[dreg:$0x2] =	wrdreg s24  }
0xaf: {  	[dreg:$0x3] =	wrdreg s2  }
0xb0: {  	[dreg:$0x4] =	wrdreg $0xA8000  }
0xb1: {  	[dreg:$0x5] =	wrdreg $0x9  }
0xb2: {  	_ =	task.clear_ibuf [dreg:s7], $0x6FFFF;
	_ =	strace $0x90000049  }
0xb3: {  	s29 =	simm.s32 $0x9;
	_ =	strace $0x8000004B  }
0xb4: {  	_ =	swait.ge [sflag:s29], $0x1  }
0xb5: {  	[sflag:s29] =	ssyncadd.s32 $0xFFFFFFFF  }
0xb6: {  	_ =	strace $0x9000004B  }
0xb7: {  	_ =	sfence  }
0xb8: {  	s30 =	sld [smem:$0x0];
	_ =	sdelay $0x2  }
0xb9: {  	s31 =	sshll.u32 s1, $0xD;
	s1 =	sshrl.u32 s1, $0x2  }
0xba: {  	s3 =	sand.u32 $0x4000, s31;
	s1 =	sadd.s32 s1, s30  }
0xbb: {  	s0 =	sor.u32 s3, s0;
	s1 =	sshll.u32 s1, $0x11  }
0xbc: {  	s0 =	sor.u32 s1, s0  }
0xbd: {  	s0 =	sadd.s32 $0x8F2B, s0  }
0xbe: {  	[sflag:s0] =	ssyncadd.remote.s32 $0x1  }
0xbf: {  	_ =	sfence.sel $0xFFFF  }
0xc0: {  	[dreg:$0x0] =	wrdreg $0xFFFFFFFF;
	(pc) =	sbr.abs _section_cstart, $3  }
0xc1: {  	[dreg:$0x1] =	wrdreg $0xFFFFFFFF  }
0xc2: {  	_ =	task.clear_ibuf [dreg:s7], $0x2FFFF;
	_ =	strace $0x9FFFFFFF  }
0xc3: {  	(tm) =	ssettm $0x7FFFFFFF  }
tec
execute0_lowered:
.L_overlay_start_1:
0x0: {  	(tag) =	ssettag $0x1  }
0x1: {  	s6 =	rddreg [dreg:$0x0]  }
0x2: {  	s9 =	rddreg [dreg:$0x1]  }
0x3: {  	s1 =	rddreg [dreg:$0x2]  }
0x4: {  	s0 =	rddreg [dreg:$0x3]  }
0x5: {  	s3 =	simm.s32 $0x0;
	s2 =	srdreg.scid;
	s16 =	simm.s32 $0x80  }
0x6: {  	s17 =	simm.s32 $0x2800;
	s18 =	simm.s32 $0x6800;
	s19 =	simm.s32 $0x1  }
0x7: {  	s20 =	simm.s32 $0x2;
	s21 =	simm.s32 $0x1380;
	s7 =	sand.u32 $0x1, s2  }
0x8: {  	s22 =	simm.s32 $0x2700;
	s2 =	stileid.u32;
	s8 =	smul.u32 $0x140000, s7  }
0x9: {  	s23 =	simm.s32 $0x2780;
	s24 =	simm.s32 $0x0;
	s10 =	smul.u32 $0x14000, s2  }
0xa: {  	[smem:$0x7FF] =	sst s3;
	s4 =	sadd.s32 $0x15200, s6;
	s12 =	smul.u32 $0x500, s7  }
0xb: {  	s11 =	sadd.s32 $0xB200, s6;
	s5 =	sadd.s32 $0x1200, s6;
	s26 =	smul.u32 $0x50, s2  }
0xc: {  	_ =	strace $0x8000004A;
	s7 =	ssub.s32 $0x2, s7;
	s14 =	smul.u32 $0x50000, s2  }
0xd: {  	s30 =	sshll.u32 s2, $0x6;
	s13 =	sshrl.u32 s7, $0x1;
	s8 =	sadd.s32 s10, s8  }
0xe: {  	s13 =	ssub.s32 s7, s13;
	s28 =	sadd.s32 s26, s12;
	s29 =	sshrl.u32 s14, $0x2  }
0xf: {  	s8 =	sshrl.u32 s8, $0x3;
	s10 =	sshll.u32 s28, $0x4;
	s14 =	sadd.s32 s29, s1  }
0x10: {  	s12 =	smax.u32 s13, $0x1;
	s15 =	sadd.s32 s8, s6;
	s6 =	sor.u32 $0x1C03, s30  }
0x11: {  	s31 =	sadd.s32 $0x280, s10;
	s7 =	sadd.s32 s9, s10;
	s8 =	sadd.s32 s11, s10  }
0x12: {  	s13 =	sshrl.u32 s14, $0x3;
	s14 =	simm.s32 $0x3;
	s9 =	sadd.s32 s9, s31  }
0x13: {  	s10 =	sadd.s32 s11, s31;
	s11 =	sadd.s32 $0x3D200, s15;
	s15 =	simm.s32 $0x1400  }
.LBB2_1:
0x14: {  	[spmem:s13], [sflag:s6] =	dma.local [hbm:s5], $0x2800  }
0x15: {  	_ =	swait.ge [sflag:s14], $0x2800  }
0x16: {  	[sflag:s14] =	ssyncset.done $0x0  }
0x17: {  	[sflag:s14] =	ssyncadd.s32 $0xFFFFD800  }
0x18: {  	[bflag:$0x0] =	sbarrier.arrive $0xFFFF  }
0x19: {  	[tilespmem:s3], [sflag:$0x3] =	stream.linear.gather [hbm4b:s7+s3], $0x1400, $0x38;
	[tilespmem:$0x1E800] =	vst v63  }
0x1a: {  	_ =	swait.ge [sflag:s14], $0x1400  }
0x1b: {  	[sflag:s14] =	ssyncset.done $0x0  }
0x1c: {  	[sflag:s14] =	ssyncadd.s32 $0xFFFFEC00  }
0x1d: {  	[tilespmem:s15], [sflag:$0x3] =	stream.linear.gather [hbm4b:s8+s3], $0x1400, $0x38;
	[tilespmem:$0x1E800] =	vst v63  }
0x1e: {  	_ =	swait.ge [sflag:s14], $0x1400  }
0x1f: {  	[sflag:s14] =	ssyncset.done $0x0  }
0x20: {  	[sflag:s14] =	ssyncadd.s32 $0xFFFFEC00  }
0x21: {  	[tilespmem:s17], [sflag:$0x1] =	stream.indirect.gather [hbm4b:s4+s16], $0x80, s3, s16, $0xb8;
	[tilespmem:$0x1E800] =	vst v63  }
0x22: {  	s25 =	simm.s32 $0x80  }
0x23: {  	[tilespmem:s18], [sflag:$0x2] =	stream.indirect.gather [hbm4b:s4+s16], $0x80, s25, s16, $0xb8;
	[tilespmem:$0x1E800] =	vst v63  }
0x24: {  	_ =	swait.ge [sflag:s19], $0x4000  }
0x25: {  	[sflag:s19] =	ssyncset.done $0x0  }
0x26: {  	s29 =	simm.s32 $0x1400;
	[sflag:s19] =	ssyncadd.s32 $0xFFFFC000  }
0x27: {  	[spmem:s1] =	stream.indirect.scatter.add.f32 [tilespmem:s17], [sflag:$0x3], $0x80, s29, s16, $0xb8;
	[tilespmem:$0x1E800] =	vst v63  }
0x28: {  	_ =	swait.ge [sflag:s14], $0x4000  }
0x29: {  	[sflag:s14] =	ssyncset.done $0x0  }
0x2a: {  	s30 =	simm.s32 $0x100;
	[sflag:s14] =	ssyncadd.s32 $0xFFFFC000  }
0x2b: {  	[tilespmem:s17], [sflag:$0x1] =	stream.indirect.gather [hbm4b:s4+s16], $0x80, s30, s16, $0xb8;
	[tilespmem:$0x1E800] =	vst v63  }
0x2c: {  	_ =	swait.ge [sflag:s20], $0x4000  }
0x2d: {  	[sflag:s20] =	ssyncset.done $0x0  }
0x2e: {  	s31 =	simm.s32 $0x1480;
	[sflag:s20] =	ssyncadd.s32 $0xFFFFC000  }
0x2f: {  	[spmem:s1] =	stream.indirect.scatter.add.f32 [tilespmem:s18], [sflag:$0x3], $0x80, s31, s16, $0xb8;
	[tilespmem:$0x1E800] =	vst v63  }
0x30: {  	_ =	swait.ge [sflag:s14], $0x4000  }
0x31: {  	s26 =	simm.s32 $0x800;
	s25 =	simm.s32 $0x100;
	[sflag:s14] =	ssyncset.done $0x0  }
.LBB2_2:
0x32: {  	s28 =	sadd.s32 $0x80, s25  }
0x33: {  	[sflag:s14] =	ssyncadd.s32 $0xFFFFC000;
	s29 =	smov.u32 s26;
	s30 =	sadd.s32 $0x400, s26  }
0x34: {  	[tilespmem:s18], [sflag:$0x2] =	stream.indirect.gather [hbm4b:s4+s16], $0x80, s28, s16, $0xb8;
	[tilespmem:$0x1E800] =	vst v63  }
0x35: {  	p0 =	sne.s32 s26, $0x4800;
	_ =	swait.ge [sflag:s19], $0x4000  }
0x36: {  	[sflag:s19] =	ssyncset.done $0x0  }
0x37: {  	s26 =	sadd.s32 $0x1400, s25;
	[sflag:s19] =	ssyncadd.s32 $0xFFFFC000  }
0x38: {  	[spmem:s1] =	stream.indirect.scatter.add.f32 [tilespmem:s17], [sflag:$0x3], $0x80, s26, s16, $0xb8;
	[tilespmem:$0x1E800] =	vst v63  }
0x39: {  	_ =	swait.ge [sflag:s14], $0x4000  }
0x3a: {  	[sflag:s14] =	ssyncset.done $0x0  }
0x3b: {  	s26 =	sadd.s32 $0x100, s25;
	[sflag:s14] =	ssyncadd.s32 $0xFFFFC000  }
0x3c: {  	[tilespmem:s17], [sflag:$0x1] =	stream.indirect.gather [hbm4b:s4+s16], $0x80, s26, s16, $0xb8;
	[tilespmem:$0x1E800] =	vst v63  }
0x3d: {  	_ =	swait.ge [sflag:s20], $0x4000  }
.Ltmp0:
0x3e: {  	[sflag:s20] =	ssyncset.done $0x0;
	(pc) =	sbr.rel @p0 .LBB2_2-.Ltmp0, $4  }
0x3f: {  	s25 =	sadd.s32 $0x1480, s25;
	[sflag:s20] =	ssyncadd.s32 $0xFFFFC000  }
0x40: {  	[spmem:s1] =	stream.indirect.scatter.add.f32 [tilespmem:s18], [sflag:$0x3], $0x80, s25, s16, $0xb8;
	[tilespmem:$0x1E800] =	vst v63  }
0x41: {  	_ =	swait.ge [sflag:s14], $0x4000  }
0x42: {  	s26 =	smov.u32 s30;
	s25 =	sshra.s32 s29, $0x2;
	[sflag:s14] =	ssyncset.done $0x0  }
0x43: {  	s26 =	sadd.s32 $0x80, s25;
	[sflag:s14] =	ssyncadd.s32 $0xFFFFC000  }
0x44: {  	[tilespmem:s18], [sflag:$0x2] =	stream.indirect.gather [hbm4b:s4+s16], $0x80, s26, s16, $0xb8;
	[tilespmem:$0x1E800] =	vst v63  }
0x45: {  	_ =	swait.ge [sflag:s19], $0x4000  }
0x46: {  	[sflag:s19] =	ssyncset.done $0x0  }
0x47: {  	s29 =	sadd.s32 $0x1400, s25;
	[sflag:s19] =	ssyncadd.s32 $0xFFFFC000  }
0x48: {  	[spmem:s1] =	stream.indirect.scatter.add.f32 [tilespmem:s17], [sflag:$0x3], $0x80, s29, s16, $0xb8;
	[tilespmem:$0x1E800] =	vst v63  }
0x49: {  	_ =	swait.ge [sflag:s14], $0x4000  }
0x4a: {  	[sflag:s14] =	ssyncset.done $0x0  }
0x4b: {  	s30 =	sadd.s32 $0x100, s25;
	[sflag:s14] =	ssyncadd.s32 $0xFFFFC000  }
0x4c: {  	[tilespmem:s17], [sflag:$0x1] =	stream.indirect.gather [hbm4b:s4+s16], $0x80, s30, s16, $0xb8;
	[tilespmem:$0x1E800] =	vst v63  }
0x4d: {  	_ =	swait.ge [sflag:s20], $0x4000  }
0x4e: {  	[sflag:s20] =	ssyncset.done $0x0  }
0x4f: {  	s31 =	sadd.s32 $0x1480, s25;
	[sflag:s20] =	ssyncadd.s32 $0xFFFFC000  }
0x50: {  	[spmem:s1] =	stream.indirect.scatter.add.f32 [tilespmem:s18], [sflag:$0x3], $0x80, s31, s16, $0xb8;
	[tilespmem:$0x1E800] =	vst v63  }
0x51: {  	_ =	swait.ge [sflag:s14], $0x4000  }
0x52: {  	[sflag:s14] =	ssyncset.done $0x0  }
0x53: {  	[sflag:s14] =	ssyncadd.s32 $0xFFFFC000  }
0x54: {  	[tilespmem:s18], [sflag:$0x2] =	stream.indirect.gather [hbm4b:s4+s16], $0x80, s21, s16, $0xb8;
	[tilespmem:$0x1E800] =	vst v63  }
0x55: {  	_ =	swait.ge [sflag:s19], $0x4000  }
0x56: {  	[sflag:s19] =	ssyncset.done $0x0  }
0x57: {  	[sflag:s19] =	ssyncadd.s32 $0xFFFFC000  }
0x58: {  	[spmem:s1] =	stream.indirect.scatter.add.f32 [tilespmem:s17], [sflag:$0x3], $0x80, s22, s16, $0xb8;
	[tilespmem:$0x1E800] =	vst v63  }
0x59: {  	_ =	swait.ge [sflag:s14], $0x4000  }
0x5a: {  	[sflag:s14] =	ssyncset.done $0x0  }
0x5b: {  	[sflag:s14] =	ssyncadd.s32 $0xFFFFC000  }
0x5c: {  	_ =	swait.ge [sflag:s20], $0x4000  }
0x5d: {  	[sflag:s20] =	ssyncset.done $0x0  }
0x5e: {  	[sflag:s20] =	ssyncadd.s32 $0xFFFFC000  }
0x5f: {  	[spmem:s1] =	stream.indirect.scatter.add.f32 [tilespmem:s18], [sflag:$0x3], $0x80, s23, s16, $0xb8;
	[tilespmem:$0x1E800] =	vst v63  }
0x60: {  	_ =	swait.ge [sflag:s14], $0x4000  }
0x61: {  	[sflag:s14] =	ssyncset.done $0x0  }
0x62: {  	s26 =	simm.s32 $0x0;
	[sflag:s14] =	ssyncadd.s32 $0xFFFFC000  }
0x63: {  	[tilespmem:s26], [sflag:$0x3] =	stream.linear.gather [hbm4b:s9+s26], $0x1400, $0x38;
	[tilespmem:$0x1E800] =	vst v63  }
0x64: {  	_ =	swait.ge [sflag:s14], $0x1400  }
0x65: {  	[sflag:s14] =	ssyncset.done $0x0  }
0x66: {  	[sflag:s14] =	ssyncadd.s32 $0xFFFFEC00  }
0x67: {  	[tilespmem:s15], [sflag:$0x3] =	stream.linear.gather [hbm4b:s10+s26], $0x1400, $0x38;
	[tilespmem:$0x1E800] =	vst v63  }
0x68: {  	_ =	swait.ge [sflag:s14], $0x1400  }
0x69: {  	[sflag:s14] =	ssyncset.done $0x0  }
0x6a: {  	[sflag:s14] =	ssyncadd.s32 $0xFFFFEC00  }
0x6b: {  	[tilespmem:s17], [sflag:$0x1] =	stream.indirect.gather [hbm4b:s4+s16], $0x80, s26, s16, $0xb8;
	[tilespmem:$0x1E800] =	vst v63  }
0x6c: {  	s28 =	simm.s32 $0x80  }
0x6d: {  	[tilespmem:s18], [sflag:$0x2] =	stream.indirect.gather [hbm4b:s4+s16], $0x80, s28, s16, $0xb8;
	[tilespmem:$0x1E800] =	vst v63  }
0x6e: {  	_ =	swait.ge [sflag:s19], $0x4000  }
0x6f: {  	[sflag:s19] =	ssyncset.done $0x0  }
0x70: {  	s29 =	simm.s32 $0x1400;
	[sflag:s19] =	ssyncadd.s32 $0xFFFFC000  }
0x71: {  	[spmem:s1] =	stream.indirect.scatter.add.f32 [tilespmem:s17], [sflag:$0x3], $0x80, s29, s16, $0xb8;
	[tilespmem:$0x1E800] =	vst v63  }
0x72: {  	_ =	swait.ge [sflag:s14], $0x4000  }
0x73: {  	[sflag:s14] =	ssyncset.done $0x0  }
0x74: {  	s30 =	simm.s32 $0x100;
	[sflag:s14] =	ssyncadd.s32 $0xFFFFC000  }
0x75: {  	[tilespmem:s17], [sflag:$0x1] =	stream.indirect.gather [hbm4b:s4+s16], $0x80, s30, s16, $0xb8;
	[tilespmem:$0x1E800] =	vst v63  }
0x76: {  	_ =	swait.ge [sflag:s20], $0x4000  }
0x77: {  	[sflag:s20] =	ssyncset.done $0x0  }
0x78: {  	s31 =	simm.s32 $0x1480;
	[sflag:s20] =	ssyncadd.s32 $0xFFFFC000  }
0x79: {  	[spmem:s1] =	stream.indirect.scatter.add.f32 [tilespmem:s18], [sflag:$0x3], $0x80, s31, s16, $0xb8;
	[tilespmem:$0x1E800] =	vst v63  }
0x7a: {  	_ =	swait.ge [sflag:s14], $0x4000  }
0x7b: {  	s25 =	simm.s32 $0x100;
	s26 =	simm.s32 $0x800;
	[sflag:s14] =	ssyncset.done $0x0  }
.LBB2_4:
0x7c: {  	s28 =	sadd.s32 $0x80, s25  }
0x7d: {  	[sflag:s14] =	ssyncadd.s32 $0xFFFFC000;
	s29 =	smov.u32 s26;
	s30 =	sadd.s32 $0x400, s26  }
0x7e: {  	[tilespmem:s18], [sflag:$0x2] =	stream.indirect.gather [hbm4b:s4+s16], $0x80, s28, s16, $0xb8;
	[tilespmem:$0x1E800] =	vst v63  }
0x7f: {  	p0 =	sne.s32 s26, $0x4800;
	_ =	swait.ge [sflag:s19], $0x4000  }
0x80: {  	[sflag:s19] =	ssyncset.done $0x0  }
0x81: {  	s26 =	sadd.s32 $0x1400, s25;
	[sflag:s19] =	ssyncadd.s32 $0xFFFFC000  }
0x82: {  	[spmem:s1] =	stream.indirect.scatter.add.f32 [tilespmem:s17], [sflag:$0x3], $0x80, s26, s16, $0xb8;
	[tilespmem:$0x1E800] =	vst v63  }
0x83: {  	_ =	swait.ge [sflag:s14], $0x4000  }
0x84: {  	[sflag:s14] =	ssyncset.done $0x0  }
0x85: {  	s26 =	sadd.s32 $0x100, s25;
	[sflag:s14] =	ssyncadd.s32 $0xFFFFC000  }
0x86: {  	[tilespmem:s17], [sflag:$0x1] =	stream.indirect.gather [hbm4b:s4+s16], $0x80, s26, s16, $0xb8;
	[tilespmem:$0x1E800] =	vst v63  }
0x87: {  	_ =	swait.ge [sflag:s20], $0x4000  }
.Ltmp1:
0x88: {  	[sflag:s20] =	ssyncset.done $0x0;
	(pc) =	sbr.rel @p0 .LBB2_4-.Ltmp1, $4  }
0x89: {  	s25 =	sadd.s32 $0x1480, s25;
	[sflag:s20] =	ssyncadd.s32 $0xFFFFC000  }
0x8a: {  	[spmem:s1] =	stream.indirect.scatter.add.f32 [tilespmem:s18], [sflag:$0x3], $0x80, s25, s16, $0xb8;
	[tilespmem:$0x1E800] =	vst v63  }
0x8b: {  	_ =	swait.ge [sflag:s14], $0x4000  }
0x8c: {  	s26 =	smov.u32 s30;
	s25 =	sshra.s32 s29, $0x2;
	[sflag:s14] =	ssyncset.done $0x0  }
0x8d: {  	s26 =	sadd.s32 $0x80, s25;
	[sflag:s14] =	ssyncadd.s32 $0xFFFFC000  }
0x8e: {  	[tilespmem:s18], [sflag:$0x2] =	stream.indirect.gather [hbm4b:s4+s16], $0x80, s26, s16, $0xb8;
	[tilespmem:$0x1E800] =	vst v63  }
0x8f: {  	_ =	swait.ge [sflag:s19], $0x4000  }
0x90: {  	[sflag:s19] =	ssyncset.done $0x0  }
0x91: {  	s29 =	sadd.s32 $0x1400, s25;
	[sflag:s19] =	ssyncadd.s32 $0xFFFFC000  }
0x92: {  	[spmem:s1] =	stream.indirect.scatter.add.f32 [tilespmem:s17], [sflag:$0x3], $0x80, s29, s16, $0xb8;
	[tilespmem:$0x1E800] =	vst v63  }
0x93: {  	_ =	swait.ge [sflag:s14], $0x4000  }
0x94: {  	[sflag:s14] =	ssyncset.done $0x0  }
0x95: {  	s30 =	sadd.s32 $0x100, s25;
	[sflag:s14] =	ssyncadd.s32 $0xFFFFC000  }
0x96: {  	[tilespmem:s17], [sflag:$0x1] =	stream.indirect.gather [hbm4b:s4+s16], $0x80, s30, s16, $0xb8;
	[tilespmem:$0x1E800] =	vst v63  }
0x97: {  	_ =	swait.ge [sflag:s20], $0x4000  }
0x98: {  	[sflag:s20] =	ssyncset.done $0x0  }
0x99: {  	s31 =	sadd.s32 $0x1480, s25;
	[sflag:s20] =	ssyncadd.s32 $0xFFFFC000  }
0x9a: {  	[spmem:s1] =	stream.indirect.scatter.add.f32 [tilespmem:s18], [sflag:$0x3], $0x80, s31, s16, $0xb8;
	[tilespmem:$0x1E800] =	vst v63  }
0x9b: {  	_ =	swait.ge [sflag:s14], $0x4000  }
0x9c: {  	[sflag:s14] =	ssyncset.done $0x0  }
0x9d: {  	[sflag:s14] =	ssyncadd.s32 $0xFFFFC000  }
0x9e: {  	[tilespmem:s18], [sflag:$0x2] =	stream.indirect.gather [hbm4b:s4+s16], $0x80, s21, s16, $0xb8;
	[tilespmem:$0x1E800] =	vst v63  }
0x9f: {  	_ =	swait.ge [sflag:s19], $0x4000  }
0xa0: {  	[sflag:s19] =	ssyncset.done $0x0  }
0xa1: {  	[sflag:s19] =	ssyncadd.s32 $0xFFFFC000  }
0xa2: {  	[spmem:s1] =	stream.indirect.scatter.add.f32 [tilespmem:s17], [sflag:$0x3], $0x80, s22, s16, $0xb8;
	[tilespmem:$0x1E800] =	vst v63  }
0xa3: {  	_ =	swait.ge [sflag:s14], $0x4000  }
0xa4: {  	[sflag:s14] =	ssyncset.done $0x0  }
0xa5: {  	[sflag:s14] =	ssyncadd.s32 $0xFFFFC000  }
0xa6: {  	_ =	swait.ge [sflag:s20], $0x4000  }
0xa7: {  	[sflag:s20] =	ssyncset.done $0x0  }
0xa8: {  	[sflag:s20] =	ssyncadd.s32 $0xFFFFC000  }
0xa9: {  	[spmem:s1] =	stream.indirect.scatter.add.f32 [tilespmem:s18], [sflag:$0x3], $0x80, s23, s16, $0xb8;
	[tilespmem:$0x1E800] =	vst v63  }
0xaa: {  	_ =	swait.ge [sflag:s14], $0x4000  }
0xab: {  	s24 =	sadd.s32 $0x1, s24;
	[sflag:s14] =	ssyncset.done $0x0  }
0xac: {  	p0 =	sne.s32 s24, s12;
	[sflag:s14] =	ssyncadd.s32 $0xFFFFC000  }
.Ltmp2:
0xad: {  	[bflag:$0x0] =	sbarrier.arrive $0xFFFF;
	(pc) =	sbr.rel @p0 .LBB2_1-.Ltmp2, $4  }
0xae: {  	[hbm:s11], [sflag:s6] =	dma.local [spmem:s13], $0x2800  }
0xaf: {  	_ =	swait.ge [sflag:s14], $0x2800  }
0xb0: {  	[sflag:s14] =	ssyncset.done $0x0  }
0xb1: {  	[sflag:s14] =	ssyncadd.s32 $0xFFFFD800  }
0xb2: {  	_ =	sfence.sel $0x180000  }
0xb3: {  	[bflag:$0x0] =	sbarrier.arrive $0xFFFF  }
0xb4: {  	p0 =	sne.s32 s2, $0x0;
	_ =	strace $0x9000004A  }
0xb5: {  	s0 =	sadd.s32 @!p0 $0x100000, s0;
	[bflag:$0x2] =	sbarrier.arrive $0xFFFF  }
0xb6: {  	[sflag:s0] =	ssyncadd.tile.s32 @!p0 $0x1;
	_ =	shalt  }
.Lfunc_end2:
_tile_overlayer_lowered:
.L_overlay_start_2:
0xb7: {  	(tag) =	ssettag $0x2  }
0xb8: {  	s0 =	rddreg [dreg:$0x0];
	s2 =	stileid.u32  }
0xb9: {  	s1 =	rddreg [dreg:$0x1];
	p0 =	sne.s32 s2, $0x0  }
0xba: {  	s3 =	rddreg [dreg:$0x2];
	[bflag:$0x3] =	sbarrier.arrive $0xFFFF;
	s2 =	simm.s32 @!p0 $0x1C03  }
0xbb: {  	[timem:s3], [sflag:s2] =	dma.local @!p0 [hbm:s0], s1  }
0xbc: {  	s0 =	simm.s32 @!p0 $0x3  }
0xbd: {  	_ =	swait.ge @!p0 [sflag:s0], s1  }
0xbe: {  	s1 =	ssub.s32 @!p0 $0x0, s1;
	[sflag:s0] =	ssyncset.done @!p0 $0x0  }
0xbf: {  	[sflag:s0] =	ssyncadd.s32 @!p0 s1  }
0xc0: {  	[bflag:$0x3] =	sbarrier.arrive $0xFFFF  }
0xc1: {  	_ =	shalt  }

</sc_bundles>
